<compile_context>
chip_gen: v7x
topology: tpu7x:2x2x1
jax: 0.10.2.dev20260603
libtpu: 0.0.44.dev20260713+nightly
codegen_flags: <defaults>
</compile_context>

<pallas_src>
import dataclasses
import functools

import jax
import jax.numpy as jnp
from jax import lax
from jax.experimental import pallas as pl
from jax.experimental.pallas import tpu as pltpu
from jax.experimental.pallas import tpu_sc as plsc

L = 16
N_CORES = 2
N_SUBCORES = 16
N_WORKERS = N_CORES * N_SUBCORES
CHUNK = 80


def _sc_edge_dot(c_feat, g_feat, src, dst, n_edges, d_feat):
    per_w = n_edges // N_WORKERS
    n_steps = per_w // CHUNK
    n_pairs = (n_steps - 1) // 2
    n_groups = CHUNK // L
    n_dch = d_feat // L

    mesh = plsc.VectorSubcoreMesh(core_axis_name="c", subcore_axis_name="s")

    cp = pltpu.CompilerParams()
    if "needs_layout_passes" in pltpu.CompilerParams.__dataclass_fields__:
        cp = dataclasses.replace(cp, needs_layout_passes=False)

    @functools.partial(
        pl.kernel,
        compiler_params=cp,
        out_type=jax.ShapeDtypeStruct((n_edges,), jnp.float32),
        mesh=mesh,
        scratch_types=[
            pltpu.VMEM((per_w,), jnp.int32),
            pltpu.VMEM((per_w,), jnp.int32),
            pltpu.VMEM((CHUNK, d_feat), jnp.float32),
            pltpu.VMEM((CHUNK, d_feat), jnp.float32),
            pltpu.VMEM((CHUNK, d_feat), jnp.float32),
            pltpu.VMEM((CHUNK, d_feat), jnp.float32),
            pltpu.VMEM((per_w,), jnp.float32),
            pltpu.SemaphoreType.DMA,
            pltpu.SemaphoreType.DMA,
        ],
    )
    def sc_kernel(c_hbm, g_hbm, src_hbm, dst_hbm, out_hbm,
                  si_v, di_v, u_a, v_a, u_b, v_b, o_v, sem_a, sem_b):
        wid = lax.axis_index("s") * N_CORES + lax.axis_index("c")
        base_w = wid * per_w
        pltpu.sync_copy(src_hbm.at[pl.ds(base_w, per_w)], si_v)
        pltpu.sync_copy(dst_hbm.at[pl.ds(base_w, per_w)], di_v)

        def start(step, u_buf, v_buf, sem):
            off = step * CHUNK
            pltpu.async_copy(c_hbm.at[si_v.at[pl.ds(off, CHUNK)]], u_buf, sem)
            pltpu.async_copy(g_hbm.at[di_v.at[pl.ds(off, CHUNK)]], v_buf, sem)

        def wait(u_buf, v_buf, sem):
            pltpu.make_async_copy(c_hbm.at[pl.ds(0, CHUNK)], u_buf, sem).wait()
            pltpu.make_async_copy(c_hbm.at[pl.ds(0, CHUNK)], v_buf, sem).wait()

        def compute(step, u_buf, v_buf):
            obase = step * CHUNK

            @pl.loop(0, n_groups)
            def _(g):
                dots = jnp.zeros((L,), jnp.float32)
                for e in range(L):
                    row = g * L + e
                    acc = u_buf[row, pl.ds(0, L)] * v_buf[row, pl.ds(0, L)]
                    for c in range(1, 1):
                        acc = acc + (u_buf[row, pl.ds(c * L, L)]
                                     * v_buf[row, pl.ds(c * L, L)])
                    s = jnp.sum(acc)
                    sel = lax.iota(jnp.int32, L) == e
                    dots = jnp.where(sel, s, dots)
                o_v[pl.ds(obase + g * L, L)] = 1.0 / (1.0 + jnp.exp(-dots))

        start(0, u_a, v_a, sem_a)

        @pl.loop(0, n_pairs)
        def _(p):
            s = 1 + 2 * p
            start(s, u_b, v_b, sem_b)
            wait(u_a, v_a, sem_a)
            compute(s - 1, u_a, v_a)
            start(s + 1, u_a, v_a, sem_a)
            wait(u_b, v_b, sem_b)
            compute(s, u_b, v_b)

        wait(u_a, v_a, sem_a)
        compute(n_steps - 1, u_a, v_a)
        pltpu.sync_copy(o_v, out_hbm.at[pl.ds(base_w, per_w)])

    return sc_kernel(c_feat, g_feat, src, dst)


def kernel(c_feat, g_feat, edge_index):
    n_nodes, d_feat = c_feat.shape
    n_edges = edge_index.shape[1]
    src = edge_index[0].astype(jnp.int32)
    dst = edge_index[1].astype(jnp.int32)
    scores = _sc_edge_dot(c_feat, g_feat, src, dst, n_edges, d_feat)
    return scores.reshape(n_edges, 1)

# --- scband reference (transcript-rebuilt; emitter-appended) ---
"""Pipeline reference for scband-dot-decoder-32607391711805 (READ-ONLY COPY).

The authoritative reference and input builder live on the scoring server;
editing this copy changes nothing except your own understanding.
"""

import jax, jax.numpy as jnp
import numpy as np

N_NODES = 10000
N_EDGES = 320000
D_FEAT = 128

def setup_inputs(seed: int = 0) -> dict:
    key = jax.random.key(seed)
    k1, k2, k3 = jax.random.split(key, 3)
    c_feat = jax.random.normal(k1, (N_NODES, D_FEAT), dtype=jnp.float32)
    g_feat = jax.random.normal(k2, (N_NODES, D_FEAT), dtype=jnp.float32)
    edge_index = jax.random.randint(k3, (2, N_EDGES), 0, N_NODES)
    return {"c_feat": c_feat, "g_feat": g_feat, "edge_index": edge_index}

def reference(c_feat, g_feat, edge_index):
    # DGL apply_edges(fn.u_dot_v('h','h','score')):
    # per-edge dot product between source (cell) and destination (gene) node features.
    src = edge_index[0]
    dst = edge_index[1]
    h_u = jnp.take(c_feat, src, axis=0)   # gather [E, d]
    h_v = jnp.take(g_feat, dst, axis=0)   # gather [E, d]
    score = jnp.sum(h_u * h_v, axis=-1, keepdims=True)  # [E, 1]
    pred = jax.nn.sigmoid(score)
    return pred

if __name__ == "__main__":
    import jax
    _d = setup_inputs()
    print(jax.jit(kernel)(*tuple(_d.values())))

</pallas_src>

<mosaic_0001>
#map = affine_map<(d0, d1) -> (0, 0)>
#map1 = affine_map<(d0, d1) -> (0)>
module attributes {stable_mosaic.version = 14 : i64} {
  func.func @sc_kernel(%arg0: i32, %arg1: i32, %arg2: memref<10000x128xf32, #tpu.memory_space<hbm>>, %arg3: memref<10000x128xf32, #tpu.memory_space<hbm>>, %arg4: memref<320000xi32, #tpu.memory_space<hbm>>, %arg5: memref<320000xi32, #tpu.memory_space<hbm>>, %arg6: memref<320000xf32, #tpu.memory_space<hbm>>, %arg7: memref<10000xi32, #tpu.memory_space<vmem>>, %arg8: memref<10000xi32, #tpu.memory_space<vmem>>, %arg9: memref<80x128xf32, #tpu.memory_space<vmem>>, %arg10: memref<80x128xf32, #tpu.memory_space<vmem>>, %arg11: memref<80x128xf32, #tpu.memory_space<vmem>>, %arg12: memref<80x128xf32, #tpu.memory_space<vmem>>, %arg13: memref<10000xf32, #tpu.memory_space<vmem>>, %arg14: memref<!tpu.dma_semaphore, #tpu.memory_space<semaphore_mem>>, %arg15: memref<!tpu.dma_semaphore, #tpu.memory_space<semaphore_mem>>) attributes {dimension_semantics = [#tpu.dimension_semantics<core_parallel>, #tpu.dimension_semantics<subcore_parallel>], iteration_bounds = array<i64: 2, 16>, scalar_prefetch = 0 : i64, scratch_operands = 9 : i64, tpu.core_type = #tpu.core_type<sc_vector_subcore>, window_params = [{transform_indices = #map}, {transform_indices = #map}, {transform_indices = #map1}, {transform_indices = #map1}, {transform_indices = #map1}]} {
    %mul3A = arith.constant 2 : i32
    %mul3A_0 = arith.muli %arg1, %mul3A : i32
    %add3A = arith.addi %mul3A_0, %arg0 : i32
    %mul3A_1 = arith.constant 10000 : i32
    %mul3A_2 = arith.muli %add3A, %mul3A_1 : i32
    "tpu.region"() ({
      %run_scoped3A = tpu.sem_alloc : memref<!tpu.dma_semaphore, #tpu.memory_space<semaphore_mem>>
      %dma_start3A_32 = tpu.memref_slice %arg4[%mul3A_2] : memref<320000xi32, #tpu.memory_space<hbm>> -> memref<10000xi32, #tpu.memory_space<hbm>>
      %dma_start3A_33 = tpu.memref_slice %arg4[%mul3A_2] : memref<320000xi32, #tpu.memory_space<hbm>> -> memref<10000xi32, #tpu.memory_space<hbm>>
      tpu.enqueue_dma source(%dma_start3A_33 : memref<10000xi32, #tpu.memory_space<hbm>>) target(%arg7 : memref<10000xi32, #tpu.memory_space<vmem>>) target_semaphore(%run_scoped3A : memref<!tpu.dma_semaphore, #tpu.memory_space<semaphore_mem>>)
      %dma_wait3A_34 = tpu.memref_slice %arg4[%mul3A_2] : memref<320000xi32, #tpu.memory_space<hbm>> -> memref<10000xi32, #tpu.memory_space<hbm>>
      %dma_wait3A_35 = tpu.memref_slice %arg4[%mul3A_2] : memref<320000xi32, #tpu.memory_space<hbm>> -> memref<10000xi32, #tpu.memory_space<hbm>>
      tpu.wait_dma2 semaphore(%run_scoped3A : memref<!tpu.dma_semaphore, #tpu.memory_space<semaphore_mem>>) src(%dma_wait3A_35 : memref<10000xi32, #tpu.memory_space<hbm>>) dst(%arg7 : memref<10000xi32, #tpu.memory_space<vmem>>)
      tpu.yield
    }) : () -> ()
    "tpu.region"() ({
      %run_scoped3A = tpu.sem_alloc : memref<!tpu.dma_semaphore, #tpu.memory_space<semaphore_mem>>
      %dma_start3A_32 = tpu.memref_slice %arg5[%mul3A_2] : memref<320000xi32, #tpu.memory_space<hbm>> -> memref<10000xi32, #tpu.memory_space<hbm>>
      %dma_start3A_33 = tpu.memref_slice %arg5[%mul3A_2] : memref<320000xi32, #tpu.memory_space<hbm>> -> memref<10000xi32, #tpu.memory_space<hbm>>
      tpu.enqueue_dma source(%dma_start3A_33 : memref<10000xi32, #tpu.memory_space<hbm>>) target(%arg8 : memref<10000xi32, #tpu.memory_space<vmem>>) target_semaphore(%run_scoped3A : memref<!tpu.dma_semaphore, #tpu.memory_space<semaphore_mem>>)
      %dma_wait3A_34 = tpu.memref_slice %arg5[%mul3A_2] : memref<320000xi32, #tpu.memory_space<hbm>> -> memref<10000xi32, #tpu.memory_space<hbm>>
      %dma_wait3A_35 = tpu.memref_slice %arg5[%mul3A_2] : memref<320000xi32, #tpu.memory_space<hbm>> -> memref<10000xi32, #tpu.memory_space<hbm>>
      tpu.wait_dma2 semaphore(%run_scoped3A : memref<!tpu.dma_semaphore, #tpu.memory_space<semaphore_mem>>) src(%dma_wait3A_35 : memref<10000xi32, #tpu.memory_space<hbm>>) dst(%arg8 : memref<10000xi32, #tpu.memory_space<vmem>>)
      tpu.yield
    }) : () -> ()
    %dma_start3A = arith.constant 0 : i32
    %dma_start3A_3 = tpu.memref_slice %arg7[%dma_start3A] : memref<10000xi32, #tpu.memory_space<vmem>> -> memref<80xi32, #tpu.memory_space<vmem>>
    %dma_start3A_4 = arith.constant 0 : i32
    %dma_start3A_5 = arith.constant 0 : i32
    %dma_start3A_6 = tpu.memref_slice %arg2[%dma_start3A_4, %dma_start3A_5] : memref<10000x128xf32, #tpu.memory_space<hbm>> -> memref<10000x128xf32, #tpu.memory_space<hbm>>
    tpu.enqueue_indirect_dma source(%dma_start3A_6 : memref<10000x128xf32, #tpu.memory_space<hbm>>) target(%arg9 : memref<80x128xf32, #tpu.memory_space<vmem>>) offsets(%dma_start3A_3 : memref<80xi32, #tpu.memory_space<vmem>>) semaphore(%arg14 : memref<!tpu.dma_semaphore, #tpu.memory_space<semaphore_mem>>)
    %dma_start3A_7 = arith.constant 0 : i32
    %dma_start3A_8 = tpu.memref_slice %arg8[%dma_start3A_7] : memref<10000xi32, #tpu.memory_space<vmem>> -> memref<80xi32, #tpu.memory_space<vmem>>
    %dma_start3A_9 = arith.constant 0 : i32
    %dma_start3A_10 = arith.constant 0 : i32
    %dma_start3A_11 = tpu.memref_slice %arg3[%dma_start3A_9, %dma_start3A_10] : memref<10000x128xf32, #tpu.memory_space<hbm>> -> memref<10000x128xf32, #tpu.memory_space<hbm>>
    tpu.enqueue_indirect_dma source(%dma_start3A_11 : memref<10000x128xf32, #tpu.memory_space<hbm>>) target(%arg10 : memref<80x128xf32, #tpu.memory_space<vmem>>) offsets(%dma_start3A_8 : memref<80xi32, #tpu.memory_space<vmem>>) semaphore(%arg14 : memref<!tpu.dma_semaphore, #tpu.memory_space<semaphore_mem>>)
    %scan3A = arith.constant 0 : i32
    %scan3A_12 = arith.constant 62 : i32
    %scan3A_13 = arith.addi %scan3A, %scan3A_12 : i32
    %scan3A_14 = arith.constant 1 : i32
    scf.for %scan3A_32 = %scan3A to %scan3A_13 step %scan3A_14  : i32 {
      %mul3A_33 = arith.constant 1 : i32
      %mul3A_34 = arith.muli %scan3A_32, %mul3A_33 : i32
      %add3A_35 = arith.constant 0 : i32
      %add3A_36 = arith.addi %add3A_35, %mul3A_34 : i32
      %mul3A_37 = arith.constant 2 : i32
      %mul3A_38 = arith.muli %mul3A_37, %add3A_36 : i32
      %add3A_39 = arith.constant 1 : i32
      %add3A_40 = arith.addi %add3A_39, %mul3A_38 : i32
      %mul3A_41 = arith.constant 80 : i32
      %mul3A_42 = arith.muli %add3A_40, %mul3A_41 : i32
      %dma_start3A_43 = tpu.memref_slice %arg7[%mul3A_42] : memref<10000xi32, #tpu.memory_space<vmem>> -> memref<80xi32, #tpu.memory_space<vmem>>
      %dma_start3A_44 = arith.constant 0 : i32
      %dma_start3A_45 = arith.constant 0 : i32
      %dma_start3A_46 = tpu.memref_slice %arg2[%dma_start3A_44, %dma_start3A_45] : memref<10000x128xf32, #tpu.memory_space<hbm>> -> memref<10000x128xf32, #tpu.memory_space<hbm>>
      tpu.enqueue_indirect_dma source(%dma_start3A_46 : memref<10000x128xf32, #tpu.memory_space<hbm>>) target(%arg11 : memref<80x128xf32, #tpu.memory_space<vmem>>) offsets(%dma_start3A_43 : memref<80xi32, #tpu.memory_space<vmem>>) semaphore(%arg15 : memref<!tpu.dma_semaphore, #tpu.memory_space<semaphore_mem>>)
      %dma_start3A_47 = tpu.memref_slice %arg8[%mul3A_42] : memref<10000xi32, #tpu.memory_space<vmem>> -> memref<80xi32, #tpu.memory_space<vmem>>
      %dma_start3A_48 = arith.constant 0 : i32
      %dma_start3A_49 = arith.constant 0 : i32
      %dma_start3A_50 = tpu.memref_slice %arg3[%dma_start3A_48, %dma_start3A_49] : memref<10000x128xf32, #tpu.memory_space<hbm>> -> memref<10000x128xf32, #tpu.memory_space<hbm>>
      tpu.enqueue_indirect_dma source(%dma_start3A_50 : memref<10000x128xf32, #tpu.memory_space<hbm>>) target(%arg12 : memref<80x128xf32, #tpu.memory_space<vmem>>) offsets(%dma_start3A_47 : memref<80xi32, #tpu.memory_space<vmem>>) semaphore(%arg15 : memref<!tpu.dma_semaphore, #tpu.memory_space<semaphore_mem>>)
      %dma_wait3A_51 = arith.constant 0 : i32
      %dma_wait3A_52 = arith.constant 0 : i32
      %dma_wait3A_53 = tpu.memref_slice %arg2[%dma_wait3A_51, %dma_wait3A_52] : memref<10000x128xf32, #tpu.memory_space<hbm>> -> memref<80x128xf32, #tpu.memory_space<hbm>>
      %dma_wait3A_54 = arith.constant 0 : i32
      %dma_wait3A_55 = arith.constant 0 : i32
      %dma_wait3A_56 = tpu.memref_slice %arg2[%dma_wait3A_54, %dma_wait3A_55] : memref<10000x128xf32, #tpu.memory_space<hbm>> -> memref<80x128xf32, #tpu.memory_space<hbm>>
      tpu.wait_dma2 semaphore(%arg14 : memref<!tpu.dma_semaphore, #tpu.memory_space<semaphore_mem>>) src(%dma_wait3A_56 : memref<80x128xf32, #tpu.memory_space<hbm>>) dst(%arg9 : memref<80x128xf32, #tpu.memory_space<vmem>>)
      %dma_wait3A_57 = arith.constant 0 : i32
      %dma_wait3A_58 = arith.constant 0 : i32
      %dma_wait3A_59 = tpu.memref_slice %arg2[%dma_wait3A_57, %dma_wait3A_58] : memref<10000x128xf32, #tpu.memory_space<hbm>> -> memref<80x128xf32, #tpu.memory_space<hbm>>
      %dma_wait3A_60 = arith.constant 0 : i32
      %dma_wait3A_61 = arith.constant 0 : i32
      %dma_wait3A_62 = tpu.memref_slice %arg2[%dma_wait3A_60, %dma_wait3A_61] : memref<10000x128xf32, #tpu.memory_space<hbm>> -> memref<80x128xf32, #tpu.memory_space<hbm>>
      tpu.wait_dma2 semaphore(%arg14 : memref<!tpu.dma_semaphore, #tpu.memory_space<semaphore_mem>>) src(%dma_wait3A_62 : memref<80x128xf32, #tpu.memory_space<hbm>>) dst(%arg10 : memref<80x128xf32, #tpu.memory_space<vmem>>)
      %sub3A = arith.constant 1 : i32
      %sub3A_63 = arith.subi %add3A_40, %sub3A : i32
      %mul3A_64 = arith.constant 80 : i32
      %mul3A_65 = arith.muli %sub3A_63, %mul3A_64 : i32
      %scan3A_66 = arith.constant 0 : i32
      %scan3A_67 = arith.constant 5 : i32
      %scan3A_68 = arith.addi %scan3A_66, %scan3A_67 : i32
      %scan3A_69 = arith.constant 1 : i32
      scf.for %scan3A_102 = %scan3A_66 to %scan3A_68 step %scan3A_69  : i32 {
        %mul3A_103 = arith.constant 1 : i32
        %mul3A_104 = arith.muli %scan3A_102, %mul3A_103 : i32
        %add3A_105 = arith.constant 0 : i32
        %add3A_106 = arith.addi %add3A_105, %mul3A_104 : i32
        %broadcast_in_dim3A = arith.constant 0.000000e+00 : f32
        %broadcast_in_dim3A_107 = vector.broadcast %broadcast_in_dim3A : f32 to vector<16xf32>
        %mul3A_108 = arith.constant 16 : i32
        %mul3A_109 = arith.muli %add3A_106, %mul3A_108 : i32
        %add3A_110 = arith.constant 0 : i32
        %add3A_111 = arith.addi %mul3A_109, %add3A_110 : i32
        %get3A = arith.index_cast %add3A_111 : i32 to index
        %get3A_112 = arith.constant 0 : index
        %get3A_113 = tpu.vector_load %arg9[%get3A, %get3A_112] {strides = array<i32>} : memref<80x128xf32, #tpu.memory_space<vmem>>, vector<16xf32>,
        %get3A_114 = arith.index_cast %add3A_111 : i32 to index
        %get3A_115 = arith.constant 0 : index
        %get3A_116 = tpu.vector_load %arg10[%get3A_114, %get3A_115] {strides = array<i32>} : memref<80x128xf32, #tpu.memory_space<vmem>>, vector<16xf32>,
        %mul3A_117 = arith.mulf %get3A_113, %get3A_116 : vector<16xf32>
        %reduce_sum3A = arith.constant true
        %reduce_sum3A_118 = vector.broadcast %reduce_sum3A : i1 to vector<16xi1>
        %reduce_sum3A_119 = tpu.scan <sum>, %mul3A_117 masked %reduce_sum3A_118 : vector<16xf32>, vector<16xi1> -> vector<16xf32>
        %reduce_sum3A_120 = vector.extract %reduce_sum3A_119[15] : f32 from vector<16xf32>
        %iota3A = tpu.iota {dimensions = array<i32: 0>} : vector<16xi32>
        %eq3A = arith.constant 0 : i32
        %eq3A_121 = vector.broadcast %eq3A : i32 to vector<16xi32>
        %eq3A_122 = arith.cmpi eq, %iota3A, %eq3A_121 : vector<16xi32>
        %broadcast_in_dim3A_123 = vector.broadcast %reduce_sum3A_120 : f32 to vector<16xf32>
        %select_n3A = arith.select %eq3A_122, %broadcast_in_dim3A_123, %broadcast_in_dim3A_107 : vector<16xi1>, vector<16xf32>
        %mul3A_124 = arith.constant 16 : i32
        %mul3A_125 = arith.muli %add3A_106, %mul3A_124 : i32
        %add3A_126 = arith.constant 1 : i32
        %add3A_127 = arith.addi %mul3A_125, %add3A_126 : i32
        %get3A_128 = arith.index_cast %add3A_127 : i32 to index
        %get3A_129 = arith.constant 0 : index
        %get3A_130 = tpu.vector_load %arg9[%get3A_128, %get3A_129] {strides = array<i32>} : memref<80x128xf32, #tpu.memory_space<vmem>>, vector<16xf32>,
        %get3A_131 = arith.index_cast %add3A_127 : i32 to index
        %get3A_132 = arith.constant 0 : index
        %get3A_133 = tpu.vector_load %arg10[%get3A_131, %get3A_132] {strides = array<i32>} : memref<80x128xf32, #tpu.memory_space<vmem>>, vector<16xf32>,
        %mul3A_134 = arith.mulf %get3A_130, %get3A_133 : vector<16xf32>
        %reduce_sum3A_135 = arith.constant true
        %reduce_sum3A_136 = vector.broadcast %reduce_sum3A_135 : i1 to vector<16xi1>
        %reduce_sum3A_137 = tpu.scan <sum>, %mul3A_134 masked %reduce_sum3A_136 : vector<16xf32>, vector<16xi1> -> vector<16xf32>
        %reduce_sum3A_138 = vector.extract %reduce_sum3A_137[15] : f32 from vector<16xf32>
        %iota3A_139 = tpu.iota {dimensions = array<i32: 0>} : vector<16xi32>
        %eq3A_140 = arith.constant 1 : i32
        %eq3A_141 = vector.broadcast %eq3A_140 : i32 to vector<16xi32>
        %eq3A_142 = arith.cmpi eq, %iota3A_139, %eq3A_141 : vector<16xi32>
        %broadcast_in_dim3A_143 = vector.broadcast %reduce_sum3A_138 : f32 to vector<16xf32>
        %select_n3A_144 = arith.select %eq3A_142, %broadcast_in_dim3A_143, %select_n3A : vector<16xi1>, vector<16xf32>
        %mul3A_145 = arith.constant 16 : i32
        %mul3A_146 = arith.muli %add3A_106, %mul3A_145 : i32
        %add3A_147 = arith.constant 2 : i32
        %add3A_148 = arith.addi %mul3A_146, %add3A_147 : i32
        %get3A_149 = arith.index_cast %add3A_148 : i32 to index
        %get3A_150 = arith.constant 0 : index
        %get3A_151 = tpu.vector_load %arg9[%get3A_149, %get3A_150] {strides = array<i32>} : memref<80x128xf32, #tpu.memory_space<vmem>>, vector<16xf32>,
        %get3A_152 = arith.index_cast %add3A_148 : i32 to index
        %get3A_153 = arith.constant 0 : index
        %get3A_154 = tpu.vector_load %arg10[%get3A_152, %get3A_153] {strides = array<i32>} : memref<80x128xf32, #tpu.memory_space<vmem>>, vector<16xf32>,
        %mul3A_155 = arith.mulf %get3A_151, %get3A_154 : vector<16xf32>
        %reduce_sum3A_156 = arith.constant true
        %reduce_sum3A_157 = vector.broadcast %reduce_sum3A_156 : i1 to vector<16xi1>
        %reduce_sum3A_158 = tpu.scan <sum>, %mul3A_155 masked %reduce_sum3A_157 : vector<16xf32>, vector<16xi1> -> vector<16xf32>
        %reduce_sum3A_159 = vector.extract %reduce_sum3A_158[15] : f32 from vector<16xf32>
        %iota3A_160 = tpu.iota {dimensions = array<i32: 0>} : vector<16xi32>
        %eq3A_161 = arith.constant 2 : i32
        %eq3A_162 = vector.broadcast %eq3A_161 : i32 to vector<16xi32>
        %eq3A_163 = arith.cmpi eq, %iota3A_160, %eq3A_162 : vector<16xi32>
        %broadcast_in_dim3A_164 = vector.broadcast %reduce_sum3A_159 : f32 to vector<16xf32>
        %select_n3A_165 = arith.select %eq3A_163, %broadcast_in_dim3A_164, %select_n3A_144 : vector<16xi1>, vector<16xf32>
        %mul3A_166 = arith.constant 16 : i32
        %mul3A_167 = arith.muli %add3A_106, %mul3A_166 : i32
        %add3A_168 = arith.constant 3 : i32
        %add3A_169 = arith.addi %mul3A_167, %add3A_168 : i32
        %get3A_170 = arith.index_cast %add3A_169 : i32 to index
        %get3A_171 = arith.constant 0 : index
        %get3A_172 = tpu.vector_load %arg9[%get3A_170, %get3A_171] {strides = array<i32>} : memref<80x128xf32, #tpu.memory_space<vmem>>, vector<16xf32>,
        %get3A_173 = arith.index_cast %add3A_169 : i32 to index
        %get3A_174 = arith.constant 0 : index
        %get3A_175 = tpu.vector_load %arg10[%get3A_173, %get3A_174] {strides = array<i32>} : memref<80x128xf32, #tpu.memory_space<vmem>>, vector<16xf32>,
        %mul3A_176 = arith.mulf %get3A_172, %get3A_175 : vector<16xf32>
        %reduce_sum3A_177 = arith.constant true
        %reduce_sum3A_178 = vector.broadcast %reduce_sum3A_177 : i1 to vector<16xi1>
        %reduce_sum3A_179 = tpu.scan <sum>, %mul3A_176 masked %reduce_sum3A_178 : vector<16xf32>, vector<16xi1> -> vector<16xf32>
        %reduce_sum3A_180 = vector.extract %reduce_sum3A_179[15] : f32 from vector<16xf32>
        %iota3A_181 = tpu.iota {dimensions = array<i32: 0>} : vector<16xi32>
        %eq3A_182 = arith.constant 3 : i32
        %eq3A_183 = vector.broadcast %eq3A_182 : i32 to vector<16xi32>
        %eq3A_184 = arith.cmpi eq, %iota3A_181, %eq3A_183 : vector<16xi32>
        %broadcast_in_dim3A_185 = vector.broadcast %reduce_sum3A_180 : f32 to vector<16xf32>
        %select_n3A_186 = arith.select %eq3A_184, %broadcast_in_dim3A_185, %select_n3A_165 : vector<16xi1>, vector<16xf32>
        %mul3A_187 = arith.constant 16 : i32
        %mul3A_188 = arith.muli %add3A_106, %mul3A_187 : i32
        %add3A_189 = arith.constant 4 : i32
        %add3A_190 = arith.addi %mul3A_188, %add3A_189 : i32
        %get3A_191 = arith.index_cast %add3A_190 : i32 to index
        %get3A_192 = arith.constant 0 : index
        %get3A_193 = tpu.vector_load %arg9[%get3A_191, %get3A_192] {strides = array<i32>} : memref<80x128xf32, #tpu.memory_space<vmem>>, vector<16xf32>,
        %get3A_194 = arith.index_cast %add3A_190 : i32 to index
        %get3A_195 = arith.constant 0 : index
        %get3A_196 = tpu.vector_load %arg10[%get3A_194, %get3A_195] {strides = array<i32>} : memref<80x128xf32, #tpu.memory_space<vmem>>, vector<16xf32>,
        %mul3A_197 = arith.mulf %get3A_193, %get3A_196 : vector<16xf32>
        %reduce_sum3A_198 = arith.constant true
        %reduce_sum3A_199 = vector.broadcast %reduce_sum3A_198 : i1 to vector<16xi1>
        %reduce_sum3A_200 = tpu.scan <sum>, %mul3A_197 masked %reduce_sum3A_199 : vector<16xf32>, vector<16xi1> -> vector<16xf32>
        %reduce_sum3A_201 = vector.extract %reduce_sum3A_200[15] : f32 from vector<16xf32>
        %iota3A_202 = tpu.iota {dimensions = array<i32: 0>} : vector<16xi32>
        %eq3A_203 = arith.constant 4 : i32
        %eq3A_204 = vector.broadcast %eq3A_203 : i32 to vector<16xi32>
        %eq3A_205 = arith.cmpi eq, %iota3A_202, %eq3A_204 : vector<16xi32>
        %broadcast_in_dim3A_206 = vector.broadcast %reduce_sum3A_201 : f32 to vector<16xf32>
        %select_n3A_207 = arith.select %eq3A_205, %broadcast_in_dim3A_206, %select_n3A_186 : vector<16xi1>, vector<16xf32>
        %mul3A_208 = arith.constant 16 : i32
        %mul3A_209 = arith.muli %add3A_106, %mul3A_208 : i32
        %add3A_210 = arith.constant 5 : i32
        %add3A_211 = arith.addi %mul3A_209, %add3A_210 : i32
        %get3A_212 = arith.index_cast %add3A_211 : i32 to index
        %get3A_213 = arith.constant 0 : index
        %get3A_214 = tpu.vector_load %arg9[%get3A_212, %get3A_213] {strides = array<i32>} : memref<80x128xf32, #tpu.memory_space<vmem>>, vector<16xf32>,
        %get3A_215 = arith.index_cast %add3A_211 : i32 to index
        %get3A_216 = arith.constant 0 : index
        %get3A_217 = tpu.vector_load %arg10[%get3A_215, %get3A_216] {strides = array<i32>} : memref<80x128xf32, #tpu.memory_space<vmem>>, vector<16xf32>,
        %mul3A_218 = arith.mulf %get3A_214, %get3A_217 : vector<16xf32>
        %reduce_sum3A_219 = arith.constant true
        %reduce_sum3A_220 = vector.broadcast %reduce_sum3A_219 : i1 to vector<16xi1>
        %reduce_sum3A_221 = tpu.scan <sum>, %mul3A_218 masked %reduce_sum3A_220 : vector<16xf32>, vector<16xi1> -> vector<16xf32>
        %reduce_sum3A_222 = vector.extract %reduce_sum3A_221[15] : f32 from vector<16xf32>
        %iota3A_223 = tpu.iota {dimensions = array<i32: 0>} : vector<16xi32>
        %eq3A_224 = arith.constant 5 : i32
        %eq3A_225 = vector.broadcast %eq3A_224 : i32 to vector<16xi32>
        %eq3A_226 = arith.cmpi eq, %iota3A_223, %eq3A_225 : vector<16xi32>
        %broadcast_in_dim3A_227 = vector.broadcast %reduce_sum3A_222 : f32 to vector<16xf32>
        %select_n3A_228 = arith.select %eq3A_226, %broadcast_in_dim3A_227, %select_n3A_207 : vector<16xi1>, vector<16xf32>
        %mul3A_229 = arith.constant 16 : i32
        %mul3A_230 = arith.muli %add3A_106, %mul3A_229 : i32
        %add3A_231 = arith.constant 6 : i32
        %add3A_232 = arith.addi %mul3A_230, %add3A_231 : i32
        %get3A_233 = arith.index_cast %add3A_232 : i32 to index
        %get3A_234 = arith.constant 0 : index
        %get3A_235 = tpu.vector_load %arg9[%get3A_233, %get3A_234] {strides = array<i32>} : memref<80x128xf32, #tpu.memory_space<vmem>>, vector<16xf32>,
        %get3A_236 = arith.index_cast %add3A_232 : i32 to index
        %get3A_237 = arith.constant 0 : index
        %get3A_238 = tpu.vector_load %arg10[%get3A_236, %get3A_237] {strides = array<i32>} : memref<80x128xf32, #tpu.memory_space<vmem>>, vector<16xf32>,
        %mul3A_239 = arith.mulf %get3A_235, %get3A_238 : vector<16xf32>
        %reduce_sum3A_240 = arith.constant true
        %reduce_sum3A_241 = vector.broadcast %reduce_sum3A_240 : i1 to vector<16xi1>
        %reduce_sum3A_242 = tpu.scan <sum>, %mul3A_239 masked %reduce_sum3A_241 : vector<16xf32>, vector<16xi1> -> vector<16xf32>
        %reduce_sum3A_243 = vector.extract %reduce_sum3A_242[15] : f32 from vector<16xf32>
        %iota3A_244 = tpu.iota {dimensions = array<i32: 0>} : vector<16xi32>
        %eq3A_245 = arith.constant 6 : i32
        %eq3A_246 = vector.broadcast %eq3A_245 : i32 to vector<16xi32>
        %eq3A_247 = arith.cmpi eq, %iota3A_244, %eq3A_246 : vector<16xi32>
        %broadcast_in_dim3A_248 = vector.broadcast %reduce_sum3A_243 : f32 to vector<16xf32>
        %select_n3A_249 = arith.select %eq3A_247, %broadcast_in_dim3A_248, %select_n3A_228 : vector<16xi1>, vector<16xf32>
        %mul3A_250 = arith.constant 16 : i32
        %mul3A_251 = arith.muli %add3A_106, %mul3A_250 : i32
        %add3A_252 = arith.constant 7 : i32
        %add3A_253 = arith.addi %mul3A_251, %add3A_252 : i32
        %get3A_254 = arith.index_cast %add3A_253 : i32 to index
        %get3A_255 = arith.constant 0 : index
        %get3A_256 = tpu.vector_load %arg9[%get3A_254, %get3A_255] {strides = array<i32>} : memref<80x128xf32, #tpu.memory_space<vmem>>, vector<16xf32>,
        %get3A_257 = arith.index_cast %add3A_253 : i32 to index
        %get3A_258 = arith.constant 0 : index
        %get3A_259 = tpu.vector_load %arg10[%get3A_257, %get3A_258] {strides = array<i32>} : memref<80x128xf32, #tpu.memory_space<vmem>>, vector<16xf32>,
        %mul3A_260 = arith.mulf %get3A_256, %get3A_259 : vector<16xf32>
        %reduce_sum3A_261 = arith.constant true
        %reduce_sum3A_262 = vector.broadcast %reduce_sum3A_261 : i1 to vector<16xi1>
        %reduce_sum3A_263 = tpu.scan <sum>, %mul3A_260 masked %reduce_sum3A_262 : vector<16xf32>, vector<16xi1> -> vector<16xf32>
        %reduce_sum3A_264 = vector.extract %reduce_sum3A_263[15] : f32 from vector<16xf32>
        %iota3A_265 = tpu.iota {dimensions = array<i32: 0>} : vector<16xi32>
        %eq3A_266 = arith.constant 7 : i32
        %eq3A_267 = vector.broadcast %eq3A_266 : i32 to vector<16xi32>
        %eq3A_268 = arith.cmpi eq, %iota3A_265, %eq3A_267 : vector<16xi32>
        %broadcast_in_dim3A_269 = vector.broadcast %reduce_sum3A_264 : f32 to vector<16xf32>
        %select_n3A_270 = arith.select %eq3A_268, %broadcast_in_dim3A_269, %select_n3A_249 : vector<16xi1>, vector<16xf32>
        %mul3A_271 = arith.constant 16 : i32
        %mul3A_272 = arith.muli %add3A_106, %mul3A_271 : i32
        %add3A_273 = arith.constant 8 : i32
        %add3A_274 = arith.addi %mul3A_272, %add3A_273 : i32
        %get3A_275 = arith.index_cast %add3A_274 : i32 to index
        %get3A_276 = arith.constant 0 : index
        %get3A_277 = tpu.vector_load %arg9[%get3A_275, %get3A_276] {strides = array<i32>} : memref<80x128xf32, #tpu.memory_space<vmem>>, vector<16xf32>,
        %get3A_278 = arith.index_cast %add3A_274 : i32 to index
        %get3A_279 = arith.constant 0 : index
        %get3A_280 = tpu.vector_load %arg10[%get3A_278, %get3A_279] {strides = array<i32>} : memref<80x128xf32, #tpu.memory_space<vmem>>, vector<16xf32>,
        %mul3A_281 = arith.mulf %get3A_277, %get3A_280 : vector<16xf32>
        %reduce_sum3A_282 = arith.constant true
        %reduce_sum3A_283 = vector.broadcast %reduce_sum3A_282 : i1 to vector<16xi1>
        %reduce_sum3A_284 = tpu.scan <sum>, %mul3A_281 masked %reduce_sum3A_283 : vector<16xf32>, vector<16xi1> -> vector<16xf32>
        %reduce_sum3A_285 = vector.extract %reduce_sum3A_284[15] : f32 from vector<16xf32>
        %iota3A_286 = tpu.iota {dimensions = array<i32: 0>} : vector<16xi32>
        %eq3A_287 = arith.constant 8 : i32
        %eq3A_288 = vector.broadcast %eq3A_287 : i32 to vector<16xi32>
        %eq3A_289 = arith.cmpi eq, %iota3A_286, %eq3A_288 : vector<16xi32>
        %broadcast_in_dim3A_290 = vector.broadcast %reduce_sum3A_285 : f32 to vector<16xf32>
        %select_n3A_291 = arith.select %eq3A_289, %broadcast_in_dim3A_290, %select_n3A_270 : vector<16xi1>, vector<16xf32>
        %mul3A_292 = arith.constant 16 : i32
        %mul3A_293 = arith.muli %add3A_106, %mul3A_292 : i32
        %add3A_294 = arith.constant 9 : i32
        %add3A_295 = arith.addi %mul3A_293, %add3A_294 : i32
        %get3A_296 = arith.index_cast %add3A_295 : i32 to index
        %get3A_297 = arith.constant 0 : index
        %get3A_298 = tpu.vector_load %arg9[%get3A_296, %get3A_297] {strides = array<i32>} : memref<80x128xf32, #tpu.memory_space<vmem>>, vector<16xf32>,
        %get3A_299 = arith.index_cast %add3A_295 : i32 to index
        %get3A_300 = arith.constant 0 : index
        %get3A_301 = tpu.vector_load %arg10[%get3A_299, %get3A_300] {strides = array<i32>} : memref<80x128xf32, #tpu.memory_space<vmem>>, vector<16xf32>,
        %mul3A_302 = arith.mulf %get3A_298, %get3A_301 : vector<16xf32>
        %reduce_sum3A_303 = arith.constant true
        %reduce_sum3A_304 = vector.broadcast %reduce_sum3A_303 : i1 to vector<16xi1>
        %reduce_sum3A_305 = tpu.scan <sum>, %mul3A_302 masked %reduce_sum3A_304 : vector<16xf32>, vector<16xi1> -> vector<16xf32>
        %reduce_sum3A_306 = vector.extract %reduce_sum3A_305[15] : f32 from vector<16xf32>
        %iota3A_307 = tpu.iota {dimensions = array<i32: 0>} : vector<16xi32>
        %eq3A_308 = arith.constant 9 : i32
        %eq3A_309 = vector.broadcast %eq3A_308 : i32 to vector<16xi32>
        %eq3A_310 = arith.cmpi eq, %iota3A_307, %eq3A_309 : vector<16xi32>
        %broadcast_in_dim3A_311 = vector.broadcast %reduce_sum3A_306 : f32 to vector<16xf32>
        %select_n3A_312 = arith.select %eq3A_310, %broadcast_in_dim3A_311, %select_n3A_291 : vector<16xi1>, vector<16xf32>
        %mul3A_313 = arith.constant 16 : i32
        %mul3A_314 = arith.muli %add3A_106, %mul3A_313 : i32
        %add3A_315 = arith.constant 10 : i32
        %add3A_316 = arith.addi %mul3A_314, %add3A_315 : i32
        %get3A_317 = arith.index_cast %add3A_316 : i32 to index
        %get3A_318 = arith.constant 0 : index
        %get3A_319 = tpu.vector_load %arg9[%get3A_317, %get3A_318] {strides = array<i32>} : memref<80x128xf32, #tpu.memory_space<vmem>>, vector<16xf32>,
        %get3A_320 = arith.index_cast %add3A_316 : i32 to index
        %get3A_321 = arith.constant 0 : index
        %get3A_322 = tpu.vector_load %arg10[%get3A_320, %get3A_321] {strides = array<i32>} : memref<80x128xf32, #tpu.memory_space<vmem>>, vector<16xf32>,
        %mul3A_323 = arith.mulf %get3A_319, %get3A_322 : vector<16xf32>
        %reduce_sum3A_324 = arith.constant true
        %reduce_sum3A_325 = vector.broadcast %reduce_sum3A_324 : i1 to vector<16xi1>
        %reduce_sum3A_326 = tpu.scan <sum>, %mul3A_323 masked %reduce_sum3A_325 : vector<16xf32>, vector<16xi1> -> vector<16xf32>
        %reduce_sum3A_327 = vector.extract %reduce_sum3A_326[15] : f32 from vector<16xf32>
        %iota3A_328 = tpu.iota {dimensions = array<i32: 0>} : vector<16xi32>
        %eq3A_329 = arith.constant 10 : i32
        %eq3A_330 = vector.broadcast %eq3A_329 : i32 to vector<16xi32>
        %eq3A_331 = arith.cmpi eq, %iota3A_328, %eq3A_330 : vector<16xi32>
        %broadcast_in_dim3A_332 = vector.broadcast %reduce_sum3A_327 : f32 to vector<16xf32>
        %select_n3A_333 = arith.select %eq3A_331, %broadcast_in_dim3A_332, %select_n3A_312 : vector<16xi1>, vector<16xf32>
        %mul3A_334 = arith.constant 16 : i32
        %mul3A_335 = arith.muli %add3A_106, %mul3A_334 : i32
        %add3A_336 = arith.constant 11 : i32
        %add3A_337 = arith.addi %mul3A_335, %add3A_336 : i32
        %get3A_338 = arith.index_cast %add3A_337 : i32 to index
        %get3A_339 = arith.constant 0 : index
        %get3A_340 = tpu.vector_load %arg9[%get3A_338, %get3A_339] {strides = array<i32>} : memref<80x128xf32, #tpu.memory_space<vmem>>, vector<16xf32>,
        %get3A_341 = arith.index_cast %add3A_337 : i32 to index
        %get3A_342 = arith.constant 0 : index
        %get3A_343 = tpu.vector_load %arg10[%get3A_341, %get3A_342] {strides = array<i32>} : memref<80x128xf32, #tpu.memory_space<vmem>>, vector<16xf32>,
        %mul3A_344 = arith.mulf %get3A_340, %get3A_343 : vector<16xf32>
        %reduce_sum3A_345 = arith.constant true
        %reduce_sum3A_346 = vector.broadcast %reduce_sum3A_345 : i1 to vector<16xi1>
        %reduce_sum3A_347 = tpu.scan <sum>, %mul3A_344 masked %reduce_sum3A_346 : vector<16xf32>, vector<16xi1> -> vector<16xf32>
        %reduce_sum3A_348 = vector.extract %reduce_sum3A_347[15] : f32 from vector<16xf32>
        %iota3A_349 = tpu.iota {dimensions = array<i32: 0>} : vector<16xi32>
        %eq3A_350 = arith.constant 11 : i32
        %eq3A_351 = vector.broadcast %eq3A_350 : i32 to vector<16xi32>
        %eq3A_352 = arith.cmpi eq, %iota3A_349, %eq3A_351 : vector<16xi32>
        %broadcast_in_dim3A_353 = vector.broadcast %reduce_sum3A_348 : f32 to vector<16xf32>
        %select_n3A_354 = arith.select %eq3A_352, %broadcast_in_dim3A_353, %select_n3A_333 : vector<16xi1>, vector<16xf32>
        %mul3A_355 = arith.constant 16 : i32
        %mul3A_356 = arith.muli %add3A_106, %mul3A_355 : i32
        %add3A_357 = arith.constant 12 : i32
        %add3A_358 = arith.addi %mul3A_356, %add3A_357 : i32
        %get3A_359 = arith.index_cast %add3A_358 : i32 to index
        %get3A_360 = arith.constant 0 : index
        %get3A_361 = tpu.vector_load %arg9[%get3A_359, %get3A_360] {strides = array<i32>} : memref<80x128xf32, #tpu.memory_space<vmem>>, vector<16xf32>,
        %get3A_362 = arith.index_cast %add3A_358 : i32 to index
        %get3A_363 = arith.constant 0 : index
        %get3A_364 = tpu.vector_load %arg10[%get3A_362, %get3A_363] {strides = array<i32>} : memref<80x128xf32, #tpu.memory_space<vmem>>, vector<16xf32>,
        %mul3A_365 = arith.mulf %get3A_361, %get3A_364 : vector<16xf32>
        %reduce_sum3A_366 = arith.constant true
        %reduce_sum3A_367 = vector.broadcast %reduce_sum3A_366 : i1 to vector<16xi1>
        %reduce_sum3A_368 = tpu.scan <sum>, %mul3A_365 masked %reduce_sum3A_367 : vector<16xf32>, vector<16xi1> -> vector<16xf32>
        %reduce_sum3A_369 = vector.extract %reduce_sum3A_368[15] : f32 from vector<16xf32>
        %iota3A_370 = tpu.iota {dimensions = array<i32: 0>} : vector<16xi32>
        %eq3A_371 = arith.constant 12 : i32
        %eq3A_372 = vector.broadcast %eq3A_371 : i32 to vector<16xi32>
        %eq3A_373 = arith.cmpi eq, %iota3A_370, %eq3A_372 : vector<16xi32>
        %broadcast_in_dim3A_374 = vector.broadcast %reduce_sum3A_369 : f32 to vector<16xf32>
        %select_n3A_375 = arith.select %eq3A_373, %broadcast_in_dim3A_374, %select_n3A_354 : vector<16xi1>, vector<16xf32>
        %mul3A_376 = arith.constant 16 : i32
        %mul3A_377 = arith.muli %add3A_106, %mul3A_376 : i32
        %add3A_378 = arith.constant 13 : i32
        %add3A_379 = arith.addi %mul3A_377, %add3A_378 : i32
        %get3A_380 = arith.index_cast %add3A_379 : i32 to index
        %get3A_381 = arith.constant 0 : index
        %get3A_382 = tpu.vector_load %arg9[%get3A_380, %get3A_381] {strides = array<i32>} : memref<80x128xf32, #tpu.memory_space<vmem>>, vector<16xf32>,
        %get3A_383 = arith.index_cast %add3A_379 : i32 to index
        %get3A_384 = arith.constant 0 : index
        %get3A_385 = tpu.vector_load %arg10[%get3A_383, %get3A_384] {strides = array<i32>} : memref<80x128xf32, #tpu.memory_space<vmem>>, vector<16xf32>,
        %mul3A_386 = arith.mulf %get3A_382, %get3A_385 : vector<16xf32>
        %reduce_sum3A_387 = arith.constant true
        %reduce_sum3A_388 = vector.broadcast %reduce_sum3A_387 : i1 to vector<16xi1>
        %reduce_sum3A_389 = tpu.scan <sum>, %mul3A_386 masked %reduce_sum3A_388 : vector<16xf32>, vector<16xi1> -> vector<16xf32>
        %reduce_sum3A_390 = vector.extract %reduce_sum3A_389[15] : f32 from vector<16xf32>
        %iota3A_391 = tpu.iota {dimensions = array<i32: 0>} : vector<16xi32>
        %eq3A_392 = arith.constant 13 : i32
        %eq3A_393 = vector.broadcast %eq3A_392 : i32 to vector<16xi32>
        %eq3A_394 = arith.cmpi eq, %iota3A_391, %eq3A_393 : vector<16xi32>
        %broadcast_in_dim3A_395 = vector.broadcast %reduce_sum3A_390 : f32 to vector<16xf32>
        %select_n3A_396 = arith.select %eq3A_394, %broadcast_in_dim3A_395, %select_n3A_375 : vector<16xi1>, vector<16xf32>
        %mul3A_397 = arith.constant 16 : i32
        %mul3A_398 = arith.muli %add3A_106, %mul3A_397 : i32
        %add3A_399 = arith.constant 14 : i32
        %add3A_400 = arith.addi %mul3A_398, %add3A_399 : i32
        %get3A_401 = arith.index_cast %add3A_400 : i32 to index
        %get3A_402 = arith.constant 0 : index
        %get3A_403 = tpu.vector_load %arg9[%get3A_401, %get3A_402] {strides = array<i32>} : memref<80x128xf32, #tpu.memory_space<vmem>>, vector<16xf32>,
        %get3A_404 = arith.index_cast %add3A_400 : i32 to index
        %get3A_405 = arith.constant 0 : index
        %get3A_406 = tpu.vector_load %arg10[%get3A_404, %get3A_405] {strides = array<i32>} : memref<80x128xf32, #tpu.memory_space<vmem>>, vector<16xf32>,
        %mul3A_407 = arith.mulf %get3A_403, %get3A_406 : vector<16xf32>
        %reduce_sum3A_408 = arith.constant true
        %reduce_sum3A_409 = vector.broadcast %reduce_sum3A_408 : i1 to vector<16xi1>
        %reduce_sum3A_410 = tpu.scan <sum>, %mul3A_407 masked %reduce_sum3A_409 : vector<16xf32>, vector<16xi1> -> vector<16xf32>
        %reduce_sum3A_411 = vector.extract %reduce_sum3A_410[15] : f32 from vector<16xf32>
        %iota3A_412 = tpu.iota {dimensions = array<i32: 0>} : vector<16xi32>
        %eq3A_413 = arith.constant 14 : i32
        %eq3A_414 = vector.broadcast %eq3A_413 : i32 to vector<16xi32>
        %eq3A_415 = arith.cmpi eq, %iota3A_412, %eq3A_414 : vector<16xi32>
        %broadcast_in_dim3A_416 = vector.broadcast %reduce_sum3A_411 : f32 to vector<16xf32>
        %select_n3A_417 = arith.select %eq3A_415, %broadcast_in_dim3A_416, %select_n3A_396 : vector<16xi1>, vector<16xf32>
        %mul3A_418 = arith.constant 16 : i32
        %mul3A_419 = arith.muli %add3A_106, %mul3A_418 : i32
        %add3A_420 = arith.constant 15 : i32
        %add3A_421 = arith.addi %mul3A_419, %add3A_420 : i32
        %get3A_422 = arith.index_cast %add3A_421 : i32 to index
        %get3A_423 = arith.constant 0 : index
        %get3A_424 = tpu.vector_load %arg9[%get3A_422, %get3A_423] {strides = array<i32>} : memref<80x128xf32, #tpu.memory_space<vmem>>, vector<16xf32>,
        %get3A_425 = arith.index_cast %add3A_421 : i32 to index
        %get3A_426 = arith.constant 0 : index
        %get3A_427 = tpu.vector_load %arg10[%get3A_425, %get3A_426] {strides = array<i32>} : memref<80x128xf32, #tpu.memory_space<vmem>>, vector<16xf32>,
        %mul3A_428 = arith.mulf %get3A_424, %get3A_427 : vector<16xf32>
        %reduce_sum3A_429 = arith.constant true
        %reduce_sum3A_430 = vector.broadcast %reduce_sum3A_429 : i1 to vector<16xi1>
        %reduce_sum3A_431 = tpu.scan <sum>, %mul3A_428 masked %reduce_sum3A_430 : vector<16xf32>, vector<16xi1> -> vector<16xf32>
        %reduce_sum3A_432 = vector.extract %reduce_sum3A_431[15] : f32 from vector<16xf32>
        %iota3A_433 = tpu.iota {dimensions = array<i32: 0>} : vector<16xi32>
        %eq3A_434 = arith.constant 15 : i32
        %eq3A_435 = vector.broadcast %eq3A_434 : i32 to vector<16xi32>
        %eq3A_436 = arith.cmpi eq, %iota3A_433, %eq3A_435 : vector<16xi32>
        %broadcast_in_dim3A_437 = vector.broadcast %reduce_sum3A_432 : f32 to vector<16xf32>
        %select_n3A_438 = arith.select %eq3A_436, %broadcast_in_dim3A_437, %select_n3A_417 : vector<16xi1>, vector<16xf32>
        %neg3A = arith.constant 0.000000e+00 : f32
        %neg3A_439 = vector.broadcast %neg3A : f32 to vector<16xf32>
        %neg3A_440 = arith.subf %neg3A_439, %select_n3A_438 : vector<16xf32>
        %exp3A = math.exp %neg3A_440 : vector<16xf32>
        %add3A_441 = arith.constant 1.000000e+00 : f32
        %add3A_442 = vector.broadcast %add3A_441 : f32 to vector<16xf32>
        %add3A_443 = arith.addf %add3A_442, %exp3A : vector<16xf32>
        %div3A = arith.constant 1.000000e+00 : f32
        %div3A_444 = vector.broadcast %div3A : f32 to vector<16xf32>
        %div3A_445 = arith.divf %div3A_444, %add3A_443 : vector<16xf32>
        %mul3A_446 = arith.constant 16 : i32
        %mul3A_447 = arith.muli %add3A_106, %mul3A_446 : i32
        %add3A_448 = arith.addi %mul3A_65, %mul3A_447 : i32
        %swap3A = arith.index_cast %add3A_448 : i32 to index
        %swap3A_449 = tpu.vector_load %arg13[%swap3A] {strides = array<i32>} : memref<10000xf32, #tpu.memory_space<vmem>>, vector<16xf32>,
        tpu.vector_store %arg13[%swap3A], %div3A_445 {strides = array<i32>} : memref<10000xf32, #tpu.memory_space<vmem>>, vector<16xf32>,
      }
      %scan3A_70 = arith.constant 5 : i32
      %add3A_71 = arith.constant 1 : i32
      %add3A_72 = arith.addi %add3A_40, %add3A_71 : i32
      %mul3A_73 = arith.constant 80 : i32
      %mul3A_74 = arith.muli %add3A_72, %mul3A_73 : i32
      %dma_start3A_75 = tpu.memref_slice %arg7[%mul3A_74] : memref<10000xi32, #tpu.memory_space<vmem>> -> memref<80xi32, #tpu.memory_space<vmem>>
      %dma_start3A_76 = arith.constant 0 : i32
      %dma_start3A_77 = arith.constant 0 : i32
      %dma_start3A_78 = tpu.memref_slice %arg2[%dma_start3A_76, %dma_start3A_77] : memref<10000x128xf32, #tpu.memory_space<hbm>> -> memref<10000x128xf32, #tpu.memory_space<hbm>>
      tpu.enqueue_indirect_dma source(%dma_start3A_78 : memref<10000x128xf32, #tpu.memory_space<hbm>>) target(%arg9 : memref<80x128xf32, #tpu.memory_space<vmem>>) offsets(%dma_start3A_75 : memref<80xi32, #tpu.memory_space<vmem>>) semaphore(%arg14 : memref<!tpu.dma_semaphore, #tpu.memory_space<semaphore_mem>>)
      %dma_start3A_79 = tpu.memref_slice %arg8[%mul3A_74] : memref<10000xi32, #tpu.memory_space<vmem>> -> memref<80xi32, #tpu.memory_space<vmem>>
      %dma_start3A_80 = arith.constant 0 : i32
      %dma_start3A_81 = arith.constant 0 : i32
      %dma_start3A_82 = tpu.memref_slice %arg3[%dma_start3A_80, %dma_start3A_81] : memref<10000x128xf32, #tpu.memory_space<hbm>> -> memref<10000x128xf32, #tpu.memory_space<hbm>>
      tpu.enqueue_indirect_dma source(%dma_start3A_82 : memref<10000x128xf32, #tpu.memory_space<hbm>>) target(%arg10 : memref<80x128xf32, #tpu.memory_space<vmem>>) offsets(%dma_start3A_79 : memref<80xi32, #tpu.memory_space<vmem>>) semaphore(%arg14 : memref<!tpu.dma_semaphore, #tpu.memory_space<semaphore_mem>>)
      %dma_wait3A_83 = arith.constant 0 : i32
      %dma_wait3A_84 = arith.constant 0 : i32
      %dma_wait3A_85 = tpu.memref_slice %arg2[%dma_wait3A_83, %dma_wait3A_84] : memref<10000x128xf32, #tpu.memory_space<hbm>> -> memref<80x128xf32, #tpu.memory_space<hbm>>
      %dma_wait3A_86 = arith.constant 0 : i32
      %dma_wait3A_87 = arith.constant 0 : i32
      %dma_wait3A_88 = tpu.memref_slice %arg2[%dma_wait3A_86, %dma_wait3A_87] : memref<10000x128xf32, #tpu.memory_space<hbm>> -> memref<80x128xf32, #tpu.memory_space<hbm>>
      tpu.wait_dma2 semaphore(%arg15 : memref<!tpu.dma_semaphore, #tpu.memory_space<semaphore_mem>>) src(%dma_wait3A_88 : memref<80x128xf32, #tpu.memory_space<hbm>>) dst(%arg11 : memref<80x128xf32, #tpu.memory_space<vmem>>)
      %dma_wait3A_89 = arith.constant 0 : i32
      %dma_wait3A_90 = arith.constant 0 : i32
      %dma_wait3A_91 = tpu.memref_slice %arg2[%dma_wait3A_89, %dma_wait3A_90] : memref<10000x128xf32, #tpu.memory_space<hbm>> -> memref<80x128xf32, #tpu.memory_space<hbm>>
      %dma_wait3A_92 = arith.constant 0 : i32
      %dma_wait3A_93 = arith.constant 0 : i32
      %dma_wait3A_94 = tpu.memref_slice %arg2[%dma_wait3A_92, %dma_wait3A_93] : memref<10000x128xf32, #tpu.memory_space<hbm>> -> memref<80x128xf32, #tpu.memory_space<hbm>>
      tpu.wait_dma2 semaphore(%arg15 : memref<!tpu.dma_semaphore, #tpu.memory_space<semaphore_mem>>) src(%dma_wait3A_94 : memref<80x128xf32, #tpu.memory_space<hbm>>) dst(%arg12 : memref<80x128xf32, #tpu.memory_space<vmem>>)
      %mul3A_95 = arith.constant 80 : i32
      %mul3A_96 = arith.muli %add3A_40, %mul3A_95 : i32
      %scan3A_97 = arith.constant 0 : i32
      %scan3A_98 = arith.constant 5 : i32
      %scan3A_99 = arith.addi %scan3A_97, %scan3A_98 : i32
      %scan3A_100 = arith.constant 1 : i32
      scf.for %scan3A_102 = %scan3A_97 to %scan3A_99 step %scan3A_100  : i32 {
        %mul3A_103 = arith.constant 1 : i32
        %mul3A_104 = arith.muli %scan3A_102, %mul3A_103 : i32
        %add3A_105 = arith.constant 0 : i32
        %add3A_106 = arith.addi %add3A_105, %mul3A_104 : i32
        %broadcast_in_dim3A = arith.constant 0.000000e+00 : f32
        %broadcast_in_dim3A_107 = vector.broadcast %broadcast_in_dim3A : f32 to vector<16xf32>
        %mul3A_108 = arith.constant 16 : i32
        %mul3A_109 = arith.muli %add3A_106, %mul3A_108 : i32
        %add3A_110 = arith.constant 0 : i32
        %add3A_111 = arith.addi %mul3A_109, %add3A_110 : i32
        %get3A = arith.index_cast %add3A_111 : i32 to index
        %get3A_112 = arith.constant 0 : index
        %get3A_113 = tpu.vector_load %arg11[%get3A, %get3A_112] {strides = array<i32>} : memref<80x128xf32, #tpu.memory_space<vmem>>, vector<16xf32>,
        %get3A_114 = arith.index_cast %add3A_111 : i32 to index
        %get3A_115 = arith.constant 0 : index
        %get3A_116 = tpu.vector_load %arg12[%get3A_114, %get3A_115] {strides = array<i32>} : memref<80x128xf32, #tpu.memory_space<vmem>>, vector<16xf32>,
        %mul3A_117 = arith.mulf %get3A_113, %get3A_116 : vector<16xf32>
        %reduce_sum3A = arith.constant true
        %reduce_sum3A_118 = vector.broadcast %reduce_sum3A : i1 to vector<16xi1>
        %reduce_sum3A_119 = tpu.scan <sum>, %mul3A_117 masked %reduce_sum3A_118 : vector<16xf32>, vector<16xi1> -> vector<16xf32>
        %reduce_sum3A_120 = vector.extract %reduce_sum3A_119[15] : f32 from vector<16xf32>
        %iota3A = tpu.iota {dimensions = array<i32: 0>} : vector<16xi32>
        %eq3A = arith.constant 0 : i32
        %eq3A_121 = vector.broadcast %eq3A : i32 to vector<16xi32>
        %eq3A_122 = arith.cmpi eq, %iota3A, %eq3A_121 : vector<16xi32>
        %broadcast_in_dim3A_123 = vector.broadcast %reduce_sum3A_120 : f32 to vector<16xf32>
        %select_n3A = arith.select %eq3A_122, %broadcast_in_dim3A_123, %broadcast_in_dim3A_107 : vector<16xi1>, vector<16xf32>
        %mul3A_124 = arith.constant 16 : i32
        %mul3A_125 = arith.muli %add3A_106, %mul3A_124 : i32
        %add3A_126 = arith.constant 1 : i32
        %add3A_127 = arith.addi %mul3A_125, %add3A_126 : i32
        %get3A_128 = arith.index_cast %add3A_127 : i32 to index
        %get3A_129 = arith.constant 0 : index
        %get3A_130 = tpu.vector_load %arg11[%get3A_128, %get3A_129] {strides = array<i32>} : memref<80x128xf32, #tpu.memory_space<vmem>>, vector<16xf32>,
        %get3A_131 = arith.index_cast %add3A_127 : i32 to index
        %get3A_132 = arith.constant 0 : index
        %get3A_133 = tpu.vector_load %arg12[%get3A_131, %get3A_132] {strides = array<i32>} : memref<80x128xf32, #tpu.memory_space<vmem>>, vector<16xf32>,
        %mul3A_134 = arith.mulf %get3A_130, %get3A_133 : vector<16xf32>
        %reduce_sum3A_135 = arith.constant true
        %reduce_sum3A_136 = vector.broadcast %reduce_sum3A_135 : i1 to vector<16xi1>
        %reduce_sum3A_137 = tpu.scan <sum>, %mul3A_134 masked %reduce_sum3A_136 : vector<16xf32>, vector<16xi1> -> vector<16xf32>
        %reduce_sum3A_138 = vector.extract %reduce_sum3A_137[15] : f32 from vector<16xf32>
        %iota3A_139 = tpu.iota {dimensions = array<i32: 0>} : vector<16xi32>
        %eq3A_140 = arith.constant 1 : i32
        %eq3A_141 = vector.broadcast %eq3A_140 : i32 to vector<16xi32>
        %eq3A_142 = arith.cmpi eq, %iota3A_139, %eq3A_141 : vector<16xi32>
        %broadcast_in_dim3A_143 = vector.broadcast %reduce_sum3A_138 : f32 to vector<16xf32>
        %select_n3A_144 = arith.select %eq3A_142, %broadcast_in_dim3A_143, %select_n3A : vector<16xi1>, vector<16xf32>
        %mul3A_145 = arith.constant 16 : i32
        %mul3A_146 = arith.muli %add3A_106, %mul3A_145 : i32
        %add3A_147 = arith.constant 2 : i32
        %add3A_148 = arith.addi %mul3A_146, %add3A_147 : i32
        %get3A_149 = arith.index_cast %add3A_148 : i32 to index
        %get3A_150 = arith.constant 0 : index
        %get3A_151 = tpu.vector_load %arg11[%get3A_149, %get3A_150] {strides = array<i32>} : memref<80x128xf32, #tpu.memory_space<vmem>>, vector<16xf32>,
        %get3A_152 = arith.index_cast %add3A_148 : i32 to index
        %get3A_153 = arith.constant 0 : index
        %get3A_154 = tpu.vector_load %arg12[%get3A_152, %get3A_153] {strides = array<i32>} : memref<80x128xf32, #tpu.memory_space<vmem>>, vector<16xf32>,
        %mul3A_155 = arith.mulf %get3A_151, %get3A_154 : vector<16xf32>
        %reduce_sum3A_156 = arith.constant true
        %reduce_sum3A_157 = vector.broadcast %reduce_sum3A_156 : i1 to vector<16xi1>
        %reduce_sum3A_158 = tpu.scan <sum>, %mul3A_155 masked %reduce_sum3A_157 : vector<16xf32>, vector<16xi1> -> vector<16xf32>
        %reduce_sum3A_159 = vector.extract %reduce_sum3A_158[15] : f32 from vector<16xf32>
        %iota3A_160 = tpu.iota {dimensions = array<i32: 0>} : vector<16xi32>
        %eq3A_161 = arith.constant 2 : i32
        %eq3A_162 = vector.broadcast %eq3A_161 : i32 to vector<16xi32>
        %eq3A_163 = arith.cmpi eq, %iota3A_160, %eq3A_162 : vector<16xi32>
        %broadcast_in_dim3A_164 = vector.broadcast %reduce_sum3A_159 : f32 to vector<16xf32>
        %select_n3A_165 = arith.select %eq3A_163, %broadcast_in_dim3A_164, %select_n3A_144 : vector<16xi1>, vector<16xf32>
        %mul3A_166 = arith.constant 16 : i32
        %mul3A_167 = arith.muli %add3A_106, %mul3A_166 : i32
        %add3A_168 = arith.constant 3 : i32
        %add3A_169 = arith.addi %mul3A_167, %add3A_168 : i32
        %get3A_170 = arith.index_cast %add3A_169 : i32 to index
        %get3A_171 = arith.constant 0 : index
        %get3A_172 = tpu.vector_load %arg11[%get3A_170, %get3A_171] {strides = array<i32>} : memref<80x128xf32, #tpu.memory_space<vmem>>, vector<16xf32>,
        %get3A_173 = arith.index_cast %add3A_169 : i32 to index
        %get3A_174 = arith.constant 0 : index
        %get3A_175 = tpu.vector_load %arg12[%get3A_173, %get3A_174] {strides = array<i32>} : memref<80x128xf32, #tpu.memory_space<vmem>>, vector<16xf32>,
        %mul3A_176 = arith.mulf %get3A_172, %get3A_175 : vector<16xf32>
        %reduce_sum3A_177 = arith.constant true
        %reduce_sum3A_178 = vector.broadcast %reduce_sum3A_177 : i1 to vector<16xi1>
        %reduce_sum3A_179 = tpu.scan <sum>, %mul3A_176 masked %reduce_sum3A_178 : vector<16xf32>, vector<16xi1> -> vector<16xf32>
        %reduce_sum3A_180 = vector.extract %reduce_sum3A_179[15] : f32 from vector<16xf32>
        %iota3A_181 = tpu.iota {dimensions = array<i32: 0>} : vector<16xi32>
        %eq3A_182 = arith.constant 3 : i32
        %eq3A_183 = vector.broadcast %eq3A_182 : i32 to vector<16xi32>
        %eq3A_184 = arith.cmpi eq, %iota3A_181, %eq3A_183 : vector<16xi32>
        %broadcast_in_dim3A_185 = vector.broadcast %reduce_sum3A_180 : f32 to vector<16xf32>
        %select_n3A_186 = arith.select %eq3A_184, %broadcast_in_dim3A_185, %select_n3A_165 : vector<16xi1>, vector<16xf32>
        %mul3A_187 = arith.constant 16 : i32
        %mul3A_188 = arith.muli %add3A_106, %mul3A_187 : i32
        %add3A_189 = arith.constant 4 : i32
        %add3A_190 = arith.addi %mul3A_188, %add3A_189 : i32
        %get3A_191 = arith.index_cast %add3A_190 : i32 to index
        %get3A_192 = arith.constant 0 : index
        %get3A_193 = tpu.vector_load %arg11[%get3A_191, %get3A_192] {strides = array<i32>} : memref<80x128xf32, #tpu.memory_space<vmem>>, vector<16xf32>,
        %get3A_194 = arith.index_cast %add3A_190 : i32 to index
        %get3A_195 = arith.constant 0 : index
        %get3A_196 = tpu.vector_load %arg12[%get3A_194, %get3A_195] {strides = array<i32>} : memref<80x128xf32, #tpu.memory_space<vmem>>, vector<16xf32>,
        %mul3A_197 = arith.mulf %get3A_193, %get3A_196 : vector<16xf32>
        %reduce_sum3A_198 = arith.constant true
        %reduce_sum3A_199 = vector.broadcast %reduce_sum3A_198 : i1 to vector<16xi1>
        %reduce_sum3A_200 = tpu.scan <sum>, %mul3A_197 masked %reduce_sum3A_199 : vector<16xf32>, vector<16xi1> -> vector<16xf32>
        %reduce_sum3A_201 = vector.extract %reduce_sum3A_200[15] : f32 from vector<16xf32>
        %iota3A_202 = tpu.iota {dimensions = array<i32: 0>} : vector<16xi32>
        %eq3A_203 = arith.constant 4 : i32
        %eq3A_204 = vector.broadcast %eq3A_203 : i32 to vector<16xi32>
        %eq3A_205 = arith.cmpi eq, %iota3A_202, %eq3A_204 : vector<16xi32>
        %broadcast_in_dim3A_206 = vector.broadcast %reduce_sum3A_201 : f32 to vector<16xf32>
        %select_n3A_207 = arith.select %eq3A_205, %broadcast_in_dim3A_206, %select_n3A_186 : vector<16xi1>, vector<16xf32>
        %mul3A_208 = arith.constant 16 : i32
        %mul3A_209 = arith.muli %add3A_106, %mul3A_208 : i32
        %add3A_210 = arith.constant 5 : i32
        %add3A_211 = arith.addi %mul3A_209, %add3A_210 : i32
        %get3A_212 = arith.index_cast %add3A_211 : i32 to index
        %get3A_213 = arith.constant 0 : index
        %get3A_214 = tpu.vector_load %arg11[%get3A_212, %get3A_213] {strides = array<i32>} : memref<80x128xf32, #tpu.memory_space<vmem>>, vector<16xf32>,
        %get3A_215 = arith.index_cast %add3A_211 : i32 to index
        %get3A_216 = arith.constant 0 : index
        %get3A_217 = tpu.vector_load %arg12[%get3A_215, %get3A_216] {strides = array<i32>} : memref<80x128xf32, #tpu.memory_space<vmem>>, vector<16xf32>,
        %mul3A_218 = arith.mulf %get3A_214, %get3A_217 : vector<16xf32>
        %reduce_sum3A_219 = arith.constant true
        %reduce_sum3A_220 = vector.broadcast %reduce_sum3A_219 : i1 to vector<16xi1>
        %reduce_sum3A_221 = tpu.scan <sum>, %mul3A_218 masked %reduce_sum3A_220 : vector<16xf32>, vector<16xi1> -> vector<16xf32>
        %reduce_sum3A_222 = vector.extract %reduce_sum3A_221[15] : f32 from vector<16xf32>
        %iota3A_223 = tpu.iota {dimensions = array<i32: 0>} : vector<16xi32>
        %eq3A_224 = arith.constant 5 : i32
        %eq3A_225 = vector.broadcast %eq3A_224 : i32 to vector<16xi32>
        %eq3A_226 = arith.cmpi eq, %iota3A_223, %eq3A_225 : vector<16xi32>
        %broadcast_in_dim3A_227 = vector.broadcast %reduce_sum3A_222 : f32 to vector<16xf32>
        %select_n3A_228 = arith.select %eq3A_226, %broadcast_in_dim3A_227, %select_n3A_207 : vector<16xi1>, vector<16xf32>
        %mul3A_229 = arith.constant 16 : i32
        %mul3A_230 = arith.muli %add3A_106, %mul3A_229 : i32
        %add3A_231 = arith.constant 6 : i32
        %add3A_232 = arith.addi %mul3A_230, %add3A_231 : i32
        %get3A_233 = arith.index_cast %add3A_232 : i32 to index
        %get3A_234 = arith.constant 0 : index
        %get3A_235 = tpu.vector_load %arg11[%get3A_233, %get3A_234] {strides = array<i32>} : memref<80x128xf32, #tpu.memory_space<vmem>>, vector<16xf32>,
        %get3A_236 = arith.index_cast %add3A_232 : i32 to index
        %get3A_237 = arith.constant 0 : index
        %get3A_238 = tpu.vector_load %arg12[%get3A_236, %get3A_237] {strides = array<i32>} : memref<80x128xf32, #tpu.memory_space<vmem>>, vector<16xf32>,
        %mul3A_239 = arith.mulf %get3A_235, %get3A_238 : vector<16xf32>
        %reduce_sum3A_240 = arith.constant true
        %reduce_sum3A_241 = vector.broadcast %reduce_sum3A_240 : i1 to vector<16xi1>
        %reduce_sum3A_242 = tpu.scan <sum>, %mul3A_239 masked %reduce_sum3A_241 : vector<16xf32>, vector<16xi1> -> vector<16xf32>
        %reduce_sum3A_243 = vector.extract %reduce_sum3A_242[15] : f32 from vector<16xf32>
        %iota3A_244 = tpu.iota {dimensions = array<i32: 0>} : vector<16xi32>
        %eq3A_245 = arith.constant 6 : i32
        %eq3A_246 = vector.broadcast %eq3A_245 : i32 to vector<16xi32>
        %eq3A_247 = arith.cmpi eq, %iota3A_244, %eq3A_246 : vector<16xi32>
        %broadcast_in_dim3A_248 = vector.broadcast %reduce_sum3A_243 : f32 to vector<16xf32>
        %select_n3A_249 = arith.select %eq3A_247, %broadcast_in_dim3A_248, %select_n3A_228 : vector<16xi1>, vector<16xf32>
        %mul3A_250 = arith.constant 16 : i32
        %mul3A_251 = arith.muli %add3A_106, %mul3A_250 : i32
        %add3A_252 = arith.constant 7 : i32
        %add3A_253 = arith.addi %mul3A_251, %add3A_252 : i32
        %get3A_254 = arith.index_cast %add3A_253 : i32 to index
        %get3A_255 = arith.constant 0 : index
        %get3A_256 = tpu.vector_load %arg11[%get3A_254, %get3A_255] {strides = array<i32>} : memref<80x128xf32, #tpu.memory_space<vmem>>, vector<16xf32>,
        %get3A_257 = arith.index_cast %add3A_253 : i32 to index
        %get3A_258 = arith.constant 0 : index
        %get3A_259 = tpu.vector_load %arg12[%get3A_257, %get3A_258] {strides = array<i32>} : memref<80x128xf32, #tpu.memory_space<vmem>>, vector<16xf32>,
        %mul3A_260 = arith.mulf %get3A_256, %get3A_259 : vector<16xf32>
        %reduce_sum3A_261 = arith.constant true
        %reduce_sum3A_262 = vector.broadcast %reduce_sum3A_261 : i1 to vector<16xi1>
        %reduce_sum3A_263 = tpu.scan <sum>, %mul3A_260 masked %reduce_sum3A_262 : vector<16xf32>, vector<16xi1> -> vector<16xf32>
        %reduce_sum3A_264 = vector.extract %reduce_sum3A_263[15] : f32 from vector<16xf32>
        %iota3A_265 = tpu.iota {dimensions = array<i32: 0>} : vector<16xi32>
        %eq3A_266 = arith.constant 7 : i32
        %eq3A_267 = vector.broadcast %eq3A_266 : i32 to vector<16xi32>
        %eq3A_268 = arith.cmpi eq, %iota3A_265, %eq3A_267 : vector<16xi32>
        %broadcast_in_dim3A_269 = vector.broadcast %reduce_sum3A_264 : f32 to vector<16xf32>
        %select_n3A_270 = arith.select %eq3A_268, %broadcast_in_dim3A_269, %select_n3A_249 : vector<16xi1>, vector<16xf32>
        %mul3A_271 = arith.constant 16 : i32
        %mul3A_272 = arith.muli %add3A_106, %mul3A_271 : i32
        %add3A_273 = arith.constant 8 : i32
        %add3A_274 = arith.addi %mul3A_272, %add3A_273 : i32
        %get3A_275 = arith.index_cast %add3A_274 : i32 to index
        %get3A_276 = arith.constant 0 : index
        %get3A_277 = tpu.vector_load %arg11[%get3A_275, %get3A_276] {strides = array<i32>} : memref<80x128xf32, #tpu.memory_space<vmem>>, vector<16xf32>,
        %get3A_278 = arith.index_cast %add3A_274 : i32 to index
        %get3A_279 = arith.constant 0 : index
        %get3A_280 = tpu.vector_load %arg12[%get3A_278, %get3A_279] {strides = array<i32>} : memref<80x128xf32, #tpu.memory_space<vmem>>, vector<16xf32>,
        %mul3A_281 = arith.mulf %get3A_277, %get3A_280 : vector<16xf32>
        %reduce_sum3A_282 = arith.constant true
        %reduce_sum3A_283 = vector.broadcast %reduce_sum3A_282 : i1 to vector<16xi1>
        %reduce_sum3A_284 = tpu.scan <sum>, %mul3A_281 masked %reduce_sum3A_283 : vector<16xf32>, vector<16xi1> -> vector<16xf32>
        %reduce_sum3A_285 = vector.extract %reduce_sum3A_284[15] : f32 from vector<16xf32>
        %iota3A_286 = tpu.iota {dimensions = array<i32: 0>} : vector<16xi32>
        %eq3A_287 = arith.constant 8 : i32
        %eq3A_288 = vector.broadcast %eq3A_287 : i32 to vector<16xi32>
        %eq3A_289 = arith.cmpi eq, %iota3A_286, %eq3A_288 : vector<16xi32>
        %broadcast_in_dim3A_290 = vector.broadcast %reduce_sum3A_285 : f32 to vector<16xf32>
        %select_n3A_291 = arith.select %eq3A_289, %broadcast_in_dim3A_290, %select_n3A_270 : vector<16xi1>, vector<16xf32>
        %mul3A_292 = arith.constant 16 : i32
        %mul3A_293 = arith.muli %add3A_106, %mul3A_292 : i32
        %add3A_294 = arith.constant 9 : i32
        %add3A_295 = arith.addi %mul3A_293, %add3A_294 : i32
        %get3A_296 = arith.index_cast %add3A_295 : i32 to index
        %get3A_297 = arith.constant 0 : index
        %get3A_298 = tpu.vector_load %arg11[%get3A_296, %get3A_297] {strides = array<i32>} : memref<80x128xf32, #tpu.memory_space<vmem>>, vector<16xf32>,
        %get3A_299 = arith.index_cast %add3A_295 : i32 to index
        %get3A_300 = arith.constant 0 : index
        %get3A_301 = tpu.vector_load %arg12[%get3A_299, %get3A_300] {strides = array<i32>} : memref<80x128xf32, #tpu.memory_space<vmem>>, vector<16xf32>,
        %mul3A_302 = arith.mulf %get3A_298, %get3A_301 : vector<16xf32>
        %reduce_sum3A_303 = arith.constant true
        %reduce_sum3A_304 = vector.broadcast %reduce_sum3A_303 : i1 to vector<16xi1>
        %reduce_sum3A_305 = tpu.scan <sum>, %mul3A_302 masked %reduce_sum3A_304 : vector<16xf32>, vector<16xi1> -> vector<16xf32>
        %reduce_sum3A_306 = vector.extract %reduce_sum3A_305[15] : f32 from vector<16xf32>
        %iota3A_307 = tpu.iota {dimensions = array<i32: 0>} : vector<16xi32>
        %eq3A_308 = arith.constant 9 : i32
        %eq3A_309 = vector.broadcast %eq3A_308 : i32 to vector<16xi32>
        %eq3A_310 = arith.cmpi eq, %iota3A_307, %eq3A_309 : vector<16xi32>
        %broadcast_in_dim3A_311 = vector.broadcast %reduce_sum3A_306 : f32 to vector<16xf32>
        %select_n3A_312 = arith.select %eq3A_310, %broadcast_in_dim3A_311, %select_n3A_291 : vector<16xi1>, vector<16xf32>
        %mul3A_313 = arith.constant 16 : i32
        %mul3A_314 = arith.muli %add3A_106, %mul3A_313 : i32
        %add3A_315 = arith.constant 10 : i32
        %add3A_316 = arith.addi %mul3A_314, %add3A_315 : i32
        %get3A_317 = arith.index_cast %add3A_316 : i32 to index
        %get3A_318 = arith.constant 0 : index
        %get3A_319 = tpu.vector_load %arg11[%get3A_317, %get3A_318] {strides = array<i32>} : memref<80x128xf32, #tpu.memory_space<vmem>>, vector<16xf32>,
        %get3A_320 = arith.index_cast %add3A_316 : i32 to index
        %get3A_321 = arith.constant 0 : index
        %get3A_322 = tpu.vector_load %arg12[%get3A_320, %get3A_321] {strides = array<i32>} : memref<80x128xf32, #tpu.memory_space<vmem>>, vector<16xf32>,
        %mul3A_323 = arith.mulf %get3A_319, %get3A_322 : vector<16xf32>
        %reduce_sum3A_324 = arith.constant true
        %reduce_sum3A_325 = vector.broadcast %reduce_sum3A_324 : i1 to vector<16xi1>
        %reduce_sum3A_326 = tpu.scan <sum>, %mul3A_323 masked %reduce_sum3A_325 : vector<16xf32>, vector<16xi1> -> vector<16xf32>
        %reduce_sum3A_327 = vector.extract %reduce_sum3A_326[15] : f32 from vector<16xf32>
        %iota3A_328 = tpu.iota {dimensions = array<i32: 0>} : vector<16xi32>
        %eq3A_329 = arith.constant 10 : i32
        %eq3A_330 = vector.broadcast %eq3A_329 : i32 to vector<16xi32>
        %eq3A_331 = arith.cmpi eq, %iota3A_328, %eq3A_330 : vector<16xi32>
        %broadcast_in_dim3A_332 = vector.broadcast %reduce_sum3A_327 : f32 to vector<16xf32>
        %select_n3A_333 = arith.select %eq3A_331, %broadcast_in_dim3A_332, %select_n3A_312 : vector<16xi1>, vector<16xf32>
        %mul3A_334 = arith.constant 16 : i32
        %mul3A_335 = arith.muli %add3A_106, %mul3A_334 : i32
        %add3A_336 = arith.constant 11 : i32
        %add3A_337 = arith.addi %mul3A_335, %add3A_336 : i32
        %get3A_338 = arith.index_cast %add3A_337 : i32 to index
        %get3A_339 = arith.constant 0 : index
        %get3A_340 = tpu.vector_load %arg11[%get3A_338, %get3A_339] {strides = array<i32>} : memref<80x128xf32, #tpu.memory_space<vmem>>, vector<16xf32>,
        %get3A_341 = arith.index_cast %add3A_337 : i32 to index
        %get3A_342 = arith.constant 0 : index
        %get3A_343 = tpu.vector_load %arg12[%get3A_341, %get3A_342] {strides = array<i32>} : memref<80x128xf32, #tpu.memory_space<vmem>>, vector<16xf32>,
        %mul3A_344 = arith.mulf %get3A_340, %get3A_343 : vector<16xf32>
        %reduce_sum3A_345 = arith.constant true
        %reduce_sum3A_346 = vector.broadcast %reduce_sum3A_345 : i1 to vector<16xi1>
        %reduce_sum3A_347 = tpu.scan <sum>, %mul3A_344 masked %reduce_sum3A_346 : vector<16xf32>, vector<16xi1> -> vector<16xf32>
        %reduce_sum3A_348 = vector.extract %reduce_sum3A_347[15] : f32 from vector<16xf32>
        %iota3A_349 = tpu.iota {dimensions = array<i32: 0>} : vector<16xi32>
        %eq3A_350 = arith.constant 11 : i32
        %eq3A_351 = vector.broadcast %eq3A_350 : i32 to vector<16xi32>
        %eq3A_352 = arith.cmpi eq, %iota3A_349, %eq3A_351 : vector<16xi32>
        %broadcast_in_dim3A_353 = vector.broadcast %reduce_sum3A_348 : f32 to vector<16xf32>
        %select_n3A_354 = arith.select %eq3A_352, %broadcast_in_dim3A_353, %select_n3A_333 : vector<16xi1>, vector<16xf32>
        %mul3A_355 = arith.constant 16 : i32
        %mul3A_356 = arith.muli %add3A_106, %mul3A_355 : i32
        %add3A_357 = arith.constant 12 : i32
        %add3A_358 = arith.addi %mul3A_356, %add3A_357 : i32
        %get3A_359 = arith.index_cast %add3A_358 : i32 to index
        %get3A_360 = arith.constant 0 : index
        %get3A_361 = tpu.vector_load %arg11[%get3A_359, %get3A_360] {strides = array<i32>} : memref<80x128xf32, #tpu.memory_space<vmem>>, vector<16xf32>,
        %get3A_362 = arith.index_cast %add3A_358 : i32 to index
        %get3A_363 = arith.constant 0 : index
        %get3A_364 = tpu.vector_load %arg12[%get3A_362, %get3A_363] {strides = array<i32>} : memref<80x128xf32, #tpu.memory_space<vmem>>, vector<16xf32>,
        %mul3A_365 = arith.mulf %get3A_361, %get3A_364 : vector<16xf32>
        %reduce_sum3A_366 = arith.constant true
        %reduce_sum3A_367 = vector.broadcast %reduce_sum3A_366 : i1 to vector<16xi1>
        %reduce_sum3A_368 = tpu.scan <sum>, %mul3A_365 masked %reduce_sum3A_367 : vector<16xf32>, vector<16xi1> -> vector<16xf32>
        %reduce_sum3A_369 = vector.extract %reduce_sum3A_368[15] : f32 from vector<16xf32>
        %iota3A_370 = tpu.iota {dimensions = array<i32: 0>} : vector<16xi32>
        %eq3A_371 = arith.constant 12 : i32
        %eq3A_372 = vector.broadcast %eq3A_371 : i32 to vector<16xi32>
        %eq3A_373 = arith.cmpi eq, %iota3A_370, %eq3A_372 : vector<16xi32>
        %broadcast_in_dim3A_374 = vector.broadcast %reduce_sum3A_369 : f32 to vector<16xf32>
        %select_n3A_375 = arith.select %eq3A_373, %broadcast_in_dim3A_374, %select_n3A_354 : vector<16xi1>, vector<16xf32>
        %mul3A_376 = arith.constant 16 : i32
        %mul3A_377 = arith.muli %add3A_106, %mul3A_376 : i32
        %add3A_378 = arith.constant 13 : i32
        %add3A_379 = arith.addi %mul3A_377, %add3A_378 : i32
        %get3A_380 = arith.index_cast %add3A_379 : i32 to index
        %get3A_381 = arith.constant 0 : index
        %get3A_382 = tpu.vector_load %arg11[%get3A_380, %get3A_381] {strides = array<i32>} : memref<80x128xf32, #tpu.memory_space<vmem>>, vector<16xf32>,
        %get3A_383 = arith.index_cast %add3A_379 : i32 to index
        %get3A_384 = arith.constant 0 : index
        %get3A_385 = tpu.vector_load %arg12[%get3A_383, %get3A_384] {strides = array<i32>} : memref<80x128xf32, #tpu.memory_space<vmem>>, vector<16xf32>,
        %mul3A_386 = arith.mulf %get3A_382, %get3A_385 : vector<16xf32>
        %reduce_sum3A_387 = arith.constant true
        %reduce_sum3A_388 = vector.broadcast %reduce_sum3A_387 : i1 to vector<16xi1>
        %reduce_sum3A_389 = tpu.scan <sum>, %mul3A_386 masked %reduce_sum3A_388 : vector<16xf32>, vector<16xi1> -> vector<16xf32>
        %reduce_sum3A_390 = vector.extract %reduce_sum3A_389[15] : f32 from vector<16xf32>
        %iota3A_391 = tpu.iota {dimensions = array<i32: 0>} : vector<16xi32>
        %eq3A_392 = arith.constant 13 : i32
        %eq3A_393 = vector.broadcast %eq3A_392 : i32 to vector<16xi32>
        %eq3A_394 = arith.cmpi eq, %iota3A_391, %eq3A_393 : vector<16xi32>
        %broadcast_in_dim3A_395 = vector.broadcast %reduce_sum3A_390 : f32 to vector<16xf32>
        %select_n3A_396 = arith.select %eq3A_394, %broadcast_in_dim3A_395, %select_n3A_375 : vector<16xi1>, vector<16xf32>
        %mul3A_397 = arith.constant 16 : i32
        %mul3A_398 = arith.muli %add3A_106, %mul3A_397 : i32
        %add3A_399 = arith.constant 14 : i32
        %add3A_400 = arith.addi %mul3A_398, %add3A_399 : i32
        %get3A_401 = arith.index_cast %add3A_400 : i32 to index
        %get3A_402 = arith.constant 0 : index
        %get3A_403 = tpu.vector_load %arg11[%get3A_401, %get3A_402] {strides = array<i32>} : memref<80x128xf32, #tpu.memory_space<vmem>>, vector<16xf32>,
        %get3A_404 = arith.index_cast %add3A_400 : i32 to index
        %get3A_405 = arith.constant 0 : index
        %get3A_406 = tpu.vector_load %arg12[%get3A_404, %get3A_405] {strides = array<i32>} : memref<80x128xf32, #tpu.memory_space<vmem>>, vector<16xf32>,
        %mul3A_407 = arith.mulf %get3A_403, %get3A_406 : vector<16xf32>
        %reduce_sum3A_408 = arith.constant true
        %reduce_sum3A_409 = vector.broadcast %reduce_sum3A_408 : i1 to vector<16xi1>
        %reduce_sum3A_410 = tpu.scan <sum>, %mul3A_407 masked %reduce_sum3A_409 : vector<16xf32>, vector<16xi1> -> vector<16xf32>
        %reduce_sum3A_411 = vector.extract %reduce_sum3A_410[15] : f32 from vector<16xf32>
        %iota3A_412 = tpu.iota {dimensions = array<i32: 0>} : vector<16xi32>
        %eq3A_413 = arith.constant 14 : i32
        %eq3A_414 = vector.broadcast %eq3A_413 : i32 to vector<16xi32>
        %eq3A_415 = arith.cmpi eq, %iota3A_412, %eq3A_414 : vector<16xi32>
        %broadcast_in_dim3A_416 = vector.broadcast %reduce_sum3A_411 : f32 to vector<16xf32>
        %select_n3A_417 = arith.select %eq3A_415, %broadcast_in_dim3A_416, %select_n3A_396 : vector<16xi1>, vector<16xf32>
        %mul3A_418 = arith.constant 16 : i32
        %mul3A_419 = arith.muli %add3A_106, %mul3A_418 : i32
        %add3A_420 = arith.constant 15 : i32
        %add3A_421 = arith.addi %mul3A_419, %add3A_420 : i32
        %get3A_422 = arith.index_cast %add3A_421 : i32 to index
        %get3A_423 = arith.constant 0 : index
        %get3A_424 = tpu.vector_load %arg11[%get3A_422, %get3A_423] {strides = array<i32>} : memref<80x128xf32, #tpu.memory_space<vmem>>, vector<16xf32>,
        %get3A_425 = arith.index_cast %add3A_421 : i32 to index
        %get3A_426 = arith.constant 0 : index
        %get3A_427 = tpu.vector_load %arg12[%get3A_425, %get3A_426] {strides = array<i32>} : memref<80x128xf32, #tpu.memory_space<vmem>>, vector<16xf32>,
        %mul3A_428 = arith.mulf %get3A_424, %get3A_427 : vector<16xf32>
        %reduce_sum3A_429 = arith.constant true
        %reduce_sum3A_430 = vector.broadcast %reduce_sum3A_429 : i1 to vector<16xi1>
        %reduce_sum3A_431 = tpu.scan <sum>, %mul3A_428 masked %reduce_sum3A_430 : vector<16xf32>, vector<16xi1> -> vector<16xf32>
        %reduce_sum3A_432 = vector.extract %reduce_sum3A_431[15] : f32 from vector<16xf32>
        %iota3A_433 = tpu.iota {dimensions = array<i32: 0>} : vector<16xi32>
        %eq3A_434 = arith.constant 15 : i32
        %eq3A_435 = vector.broadcast %eq3A_434 : i32 to vector<16xi32>
        %eq3A_436 = arith.cmpi eq, %iota3A_433, %eq3A_435 : vector<16xi32>
        %broadcast_in_dim3A_437 = vector.broadcast %reduce_sum3A_432 : f32 to vector<16xf32>
        %select_n3A_438 = arith.select %eq3A_436, %broadcast_in_dim3A_437, %select_n3A_417 : vector<16xi1>, vector<16xf32>
        %neg3A = arith.constant 0.000000e+00 : f32
        %neg3A_439 = vector.broadcast %neg3A : f32 to vector<16xf32>
        %neg3A_440 = arith.subf %neg3A_439, %select_n3A_438 : vector<16xf32>
        %exp3A = math.exp %neg3A_440 : vector<16xf32>
        %add3A_441 = arith.constant 1.000000e+00 : f32
        %add3A_442 = vector.broadcast %add3A_441 : f32 to vector<16xf32>
        %add3A_443 = arith.addf %add3A_442, %exp3A : vector<16xf32>
        %div3A = arith.constant 1.000000e+00 : f32
        %div3A_444 = vector.broadcast %div3A : f32 to vector<16xf32>
        %div3A_445 = arith.divf %div3A_444, %add3A_443 : vector<16xf32>
        %mul3A_446 = arith.constant 16 : i32
        %mul3A_447 = arith.muli %add3A_106, %mul3A_446 : i32
        %add3A_448 = arith.addi %mul3A_96, %mul3A_447 : i32
        %swap3A = arith.index_cast %add3A_448 : i32 to index
        %swap3A_449 = tpu.vector_load %arg13[%swap3A] {strides = array<i32>} : memref<10000xf32, #tpu.memory_space<vmem>>, vector<16xf32>,
        tpu.vector_store %arg13[%swap3A], %div3A_445 {strides = array<i32>} : memref<10000xf32, #tpu.memory_space<vmem>>, vector<16xf32>,
      }
      %scan3A_101 = arith.constant 5 : i32
    }
    %scan3A_15 = arith.constant 62 : i32
    %dma_wait3A = arith.constant 0 : i32
    %dma_wait3A_16 = arith.constant 0 : i32
    %dma_wait3A_17 = tpu.memref_slice %arg2[%dma_wait3A, %dma_wait3A_16] : memref<10000x128xf32, #tpu.memory_space<hbm>> -> memref<80x128xf32, #tpu.memory_space<hbm>>
    %dma_wait3A_18 = arith.constant 0 : i32
    %dma_wait3A_19 = arith.constant 0 : i32
    %dma_wait3A_20 = tpu.memref_slice %arg2[%dma_wait3A_18, %dma_wait3A_19] : memref<10000x128xf32, #tpu.memory_space<hbm>> -> memref<80x128xf32, #tpu.memory_space<hbm>>
    tpu.wait_dma2 semaphore(%arg14 : memref<!tpu.dma_semaphore, #tpu.memory_space<semaphore_mem>>) src(%dma_wait3A_20 : memref<80x128xf32, #tpu.memory_space<hbm>>) dst(%arg9 : memref<80x128xf32, #tpu.memory_space<vmem>>)
    %dma_wait3A_21 = arith.constant 0 : i32
    %dma_wait3A_22 = arith.constant 0 : i32
    %dma_wait3A_23 = tpu.memref_slice %arg2[%dma_wait3A_21, %dma_wait3A_22] : memref<10000x128xf32, #tpu.memory_space<hbm>> -> memref<80x128xf32, #tpu.memory_space<hbm>>
    %dma_wait3A_24 = arith.constant 0 : i32
    %dma_wait3A_25 = arith.constant 0 : i32
    %dma_wait3A_26 = tpu.memref_slice %arg2[%dma_wait3A_24, %dma_wait3A_25] : memref<10000x128xf32, #tpu.memory_space<hbm>> -> memref<80x128xf32, #tpu.memory_space<hbm>>
    tpu.wait_dma2 semaphore(%arg14 : memref<!tpu.dma_semaphore, #tpu.memory_space<semaphore_mem>>) src(%dma_wait3A_26 : memref<80x128xf32, #tpu.memory_space<hbm>>) dst(%arg10 : memref<80x128xf32, #tpu.memory_space<vmem>>)
    %scan3A_27 = arith.constant 0 : i32
    %scan3A_28 = arith.constant 5 : i32
    %scan3A_29 = arith.addi %scan3A_27, %scan3A_28 : i32
    %scan3A_30 = arith.constant 1 : i32
    scf.for %scan3A_32 = %scan3A_27 to %scan3A_29 step %scan3A_30  : i32 {
      %mul3A_33 = arith.constant 1 : i32
      %mul3A_34 = arith.muli %scan3A_32, %mul3A_33 : i32
      %add3A_35 = arith.constant 0 : i32
      %add3A_36 = arith.addi %add3A_35, %mul3A_34 : i32
      %broadcast_in_dim3A = arith.constant 0.000000e+00 : f32
      %broadcast_in_dim3A_37 = vector.broadcast %broadcast_in_dim3A : f32 to vector<16xf32>
      %mul3A_38 = arith.constant 16 : i32
      %mul3A_39 = arith.muli %add3A_36, %mul3A_38 : i32
      %add3A_40 = arith.constant 0 : i32
      %add3A_41 = arith.addi %mul3A_39, %add3A_40 : i32
      %get3A = arith.index_cast %add3A_41 : i32 to index
      %get3A_42 = arith.constant 0 : index
      %get3A_43 = tpu.vector_load %arg9[%get3A, %get3A_42] {strides = array<i32>} : memref<80x128xf32, #tpu.memory_space<vmem>>, vector<16xf32>,
      %get3A_44 = arith.index_cast %add3A_41 : i32 to index
      %get3A_45 = arith.constant 0 : index
      %get3A_46 = tpu.vector_load %arg10[%get3A_44, %get3A_45] {strides = array<i32>} : memref<80x128xf32, #tpu.memory_space<vmem>>, vector<16xf32>,
      %mul3A_47 = arith.mulf %get3A_43, %get3A_46 : vector<16xf32>
      %reduce_sum3A = arith.constant true
      %reduce_sum3A_48 = vector.broadcast %reduce_sum3A : i1 to vector<16xi1>
      %reduce_sum3A_49 = tpu.scan <sum>, %mul3A_47 masked %reduce_sum3A_48 : vector<16xf32>, vector<16xi1> -> vector<16xf32>
      %reduce_sum3A_50 = vector.extract %reduce_sum3A_49[15] : f32 from vector<16xf32>
      %iota3A = tpu.iota {dimensions = array<i32: 0>} : vector<16xi32>
      %eq3A = arith.constant 0 : i32
      %eq3A_51 = vector.broadcast %eq3A : i32 to vector<16xi32>
      %eq3A_52 = arith.cmpi eq, %iota3A, %eq3A_51 : vector<16xi32>
      %broadcast_in_dim3A_53 = vector.broadcast %reduce_sum3A_50 : f32 to vector<16xf32>
      %select_n3A = arith.select %eq3A_52, %broadcast_in_dim3A_53, %broadcast_in_dim3A_37 : vector<16xi1>, vector<16xf32>
      %mul3A_54 = arith.constant 16 : i32
      %mul3A_55 = arith.muli %add3A_36, %mul3A_54 : i32
      %add3A_56 = arith.constant 1 : i32
      %add3A_57 = arith.addi %mul3A_55, %add3A_56 : i32
      %get3A_58 = arith.index_cast %add3A_57 : i32 to index
      %get3A_59 = arith.constant 0 : index
      %get3A_60 = tpu.vector_load %arg9[%get3A_58, %get3A_59] {strides = array<i32>} : memref<80x128xf32, #tpu.memory_space<vmem>>, vector<16xf32>,
      %get3A_61 = arith.index_cast %add3A_57 : i32 to index
      %get3A_62 = arith.constant 0 : index
      %get3A_63 = tpu.vector_load %arg10[%get3A_61, %get3A_62] {strides = array<i32>} : memref<80x128xf32, #tpu.memory_space<vmem>>, vector<16xf32>,
      %mul3A_64 = arith.mulf %get3A_60, %get3A_63 : vector<16xf32>
      %reduce_sum3A_65 = arith.constant true
      %reduce_sum3A_66 = vector.broadcast %reduce_sum3A_65 : i1 to vector<16xi1>
      %reduce_sum3A_67 = tpu.scan <sum>, %mul3A_64 masked %reduce_sum3A_66 : vector<16xf32>, vector<16xi1> -> vector<16xf32>
      %reduce_sum3A_68 = vector.extract %reduce_sum3A_67[15] : f32 from vector<16xf32>
      %iota3A_69 = tpu.iota {dimensions = array<i32: 0>} : vector<16xi32>
      %eq3A_70 = arith.constant 1 : i32
      %eq3A_71 = vector.broadcast %eq3A_70 : i32 to vector<16xi32>
      %eq3A_72 = arith.cmpi eq, %iota3A_69, %eq3A_71 : vector<16xi32>
      %broadcast_in_dim3A_73 = vector.broadcast %reduce_sum3A_68 : f32 to vector<16xf32>
      %select_n3A_74 = arith.select %eq3A_72, %broadcast_in_dim3A_73, %select_n3A : vector<16xi1>, vector<16xf32>
      %mul3A_75 = arith.constant 16 : i32
      %mul3A_76 = arith.muli %add3A_36, %mul3A_75 : i32
      %add3A_77 = arith.constant 2 : i32
      %add3A_78 = arith.addi %mul3A_76, %add3A_77 : i32
      %get3A_79 = arith.index_cast %add3A_78 : i32 to index
      %get3A_80 = arith.constant 0 : index
      %get3A_81 = tpu.vector_load %arg9[%get3A_79, %get3A_80] {strides = array<i32>} : memref<80x128xf32, #tpu.memory_space<vmem>>, vector<16xf32>,
      %get3A_82 = arith.index_cast %add3A_78 : i32 to index
      %get3A_83 = arith.constant 0 : index
      %get3A_84 = tpu.vector_load %arg10[%get3A_82, %get3A_83] {strides = array<i32>} : memref<80x128xf32, #tpu.memory_space<vmem>>, vector<16xf32>,
      %mul3A_85 = arith.mulf %get3A_81, %get3A_84 : vector<16xf32>
      %reduce_sum3A_86 = arith.constant true
      %reduce_sum3A_87 = vector.broadcast %reduce_sum3A_86 : i1 to vector<16xi1>
      %reduce_sum3A_88 = tpu.scan <sum>, %mul3A_85 masked %reduce_sum3A_87 : vector<16xf32>, vector<16xi1> -> vector<16xf32>
      %reduce_sum3A_89 = vector.extract %reduce_sum3A_88[15] : f32 from vector<16xf32>
      %iota3A_90 = tpu.iota {dimensions = array<i32: 0>} : vector<16xi32>
      %eq3A_91 = arith.constant 2 : i32
      %eq3A_92 = vector.broadcast %eq3A_91 : i32 to vector<16xi32>
      %eq3A_93 = arith.cmpi eq, %iota3A_90, %eq3A_92 : vector<16xi32>
      %broadcast_in_dim3A_94 = vector.broadcast %reduce_sum3A_89 : f32 to vector<16xf32>
      %select_n3A_95 = arith.select %eq3A_93, %broadcast_in_dim3A_94, %select_n3A_74 : vector<16xi1>, vector<16xf32>
      %mul3A_96 = arith.constant 16 : i32
      %mul3A_97 = arith.muli %add3A_36, %mul3A_96 : i32
      %add3A_98 = arith.constant 3 : i32
      %add3A_99 = arith.addi %mul3A_97, %add3A_98 : i32
      %get3A_100 = arith.index_cast %add3A_99 : i32 to index
      %get3A_101 = arith.constant 0 : index
      %get3A_102 = tpu.vector_load %arg9[%get3A_100, %get3A_101] {strides = array<i32>} : memref<80x128xf32, #tpu.memory_space<vmem>>, vector<16xf32>,
      %get3A_103 = arith.index_cast %add3A_99 : i32 to index
      %get3A_104 = arith.constant 0 : index
      %get3A_105 = tpu.vector_load %arg10[%get3A_103, %get3A_104] {strides = array<i32>} : memref<80x128xf32, #tpu.memory_space<vmem>>, vector<16xf32>,
      %mul3A_106 = arith.mulf %get3A_102, %get3A_105 : vector<16xf32>
      %reduce_sum3A_107 = arith.constant true
      %reduce_sum3A_108 = vector.broadcast %reduce_sum3A_107 : i1 to vector<16xi1>
      %reduce_sum3A_109 = tpu.scan <sum>, %mul3A_106 masked %reduce_sum3A_108 : vector<16xf32>, vector<16xi1> -> vector<16xf32>
      %reduce_sum3A_110 = vector.extract %reduce_sum3A_109[15] : f32 from vector<16xf32>
      %iota3A_111 = tpu.iota {dimensions = array<i32: 0>} : vector<16xi32>
      %eq3A_112 = arith.constant 3 : i32
      %eq3A_113 = vector.broadcast %eq3A_112 : i32 to vector<16xi32>
      %eq3A_114 = arith.cmpi eq, %iota3A_111, %eq3A_113 : vector<16xi32>
      %broadcast_in_dim3A_115 = vector.broadcast %reduce_sum3A_110 : f32 to vector<16xf32>
      %select_n3A_116 = arith.select %eq3A_114, %broadcast_in_dim3A_115, %select_n3A_95 : vector<16xi1>, vector<16xf32>
      %mul3A_117 = arith.constant 16 : i32
      %mul3A_118 = arith.muli %add3A_36, %mul3A_117 : i32
      %add3A_119 = arith.constant 4 : i32
      %add3A_120 = arith.addi %mul3A_118, %add3A_119 : i32
      %get3A_121 = arith.index_cast %add3A_120 : i32 to index
      %get3A_122 = arith.constant 0 : index
      %get3A_123 = tpu.vector_load %arg9[%get3A_121, %get3A_122] {strides = array<i32>} : memref<80x128xf32, #tpu.memory_space<vmem>>, vector<16xf32>,
      %get3A_124 = arith.index_cast %add3A_120 : i32 to index
      %get3A_125 = arith.constant 0 : index
      %get3A_126 = tpu.vector_load %arg10[%get3A_124, %get3A_125] {strides = array<i32>} : memref<80x128xf32, #tpu.memory_space<vmem>>, vector<16xf32>,
      %mul3A_127 = arith.mulf %get3A_123, %get3A_126 : vector<16xf32>
      %reduce_sum3A_128 = arith.constant true
      %reduce_sum3A_129 = vector.broadcast %reduce_sum3A_128 : i1 to vector<16xi1>
      %reduce_sum3A_130 = tpu.scan <sum>, %mul3A_127 masked %reduce_sum3A_129 : vector<16xf32>, vector<16xi1> -> vector<16xf32>
      %reduce_sum3A_131 = vector.extract %reduce_sum3A_130[15] : f32 from vector<16xf32>
      %iota3A_132 = tpu.iota {dimensions = array<i32: 0>} : vector<16xi32>
      %eq3A_133 = arith.constant 4 : i32
      %eq3A_134 = vector.broadcast %eq3A_133 : i32 to vector<16xi32>
      %eq3A_135 = arith.cmpi eq, %iota3A_132, %eq3A_134 : vector<16xi32>
      %broadcast_in_dim3A_136 = vector.broadcast %reduce_sum3A_131 : f32 to vector<16xf32>
      %select_n3A_137 = arith.select %eq3A_135, %broadcast_in_dim3A_136, %select_n3A_116 : vector<16xi1>, vector<16xf32>
      %mul3A_138 = arith.constant 16 : i32
      %mul3A_139 = arith.muli %add3A_36, %mul3A_138 : i32
      %add3A_140 = arith.constant 5 : i32
      %add3A_141 = arith.addi %mul3A_139, %add3A_140 : i32
      %get3A_142 = arith.index_cast %add3A_141 : i32 to index
      %get3A_143 = arith.constant 0 : index
      %get3A_144 = tpu.vector_load %arg9[%get3A_142, %get3A_143] {strides = array<i32>} : memref<80x128xf32, #tpu.memory_space<vmem>>, vector<16xf32>,
      %get3A_145 = arith.index_cast %add3A_141 : i32 to index
      %get3A_146 = arith.constant 0 : index
      %get3A_147 = tpu.vector_load %arg10[%get3A_145, %get3A_146] {strides = array<i32>} : memref<80x128xf32, #tpu.memory_space<vmem>>, vector<16xf32>,
      %mul3A_148 = arith.mulf %get3A_144, %get3A_147 : vector<16xf32>
      %reduce_sum3A_149 = arith.constant true
      %reduce_sum3A_150 = vector.broadcast %reduce_sum3A_149 : i1 to vector<16xi1>
      %reduce_sum3A_151 = tpu.scan <sum>, %mul3A_148 masked %reduce_sum3A_150 : vector<16xf32>, vector<16xi1> -> vector<16xf32>
      %reduce_sum3A_152 = vector.extract %reduce_sum3A_151[15] : f32 from vector<16xf32>
      %iota3A_153 = tpu.iota {dimensions = array<i32: 0>} : vector<16xi32>
      %eq3A_154 = arith.constant 5 : i32
      %eq3A_155 = vector.broadcast %eq3A_154 : i32 to vector<16xi32>
      %eq3A_156 = arith.cmpi eq, %iota3A_153, %eq3A_155 : vector<16xi32>
      %broadcast_in_dim3A_157 = vector.broadcast %reduce_sum3A_152 : f32 to vector<16xf32>
      %select_n3A_158 = arith.select %eq3A_156, %broadcast_in_dim3A_157, %select_n3A_137 : vector<16xi1>, vector<16xf32>
      %mul3A_159 = arith.constant 16 : i32
      %mul3A_160 = arith.muli %add3A_36, %mul3A_159 : i32
      %add3A_161 = arith.constant 6 : i32
      %add3A_162 = arith.addi %mul3A_160, %add3A_161 : i32
      %get3A_163 = arith.index_cast %add3A_162 : i32 to index
      %get3A_164 = arith.constant 0 : index
      %get3A_165 = tpu.vector_load %arg9[%get3A_163, %get3A_164] {strides = array<i32>} : memref<80x128xf32, #tpu.memory_space<vmem>>, vector<16xf32>,
      %get3A_166 = arith.index_cast %add3A_162 : i32 to index
      %get3A_167 = arith.constant 0 : index
      %get3A_168 = tpu.vector_load %arg10[%get3A_166, %get3A_167] {strides = array<i32>} : memref<80x128xf32, #tpu.memory_space<vmem>>, vector<16xf32>,
      %mul3A_169 = arith.mulf %get3A_165, %get3A_168 : vector<16xf32>
      %reduce_sum3A_170 = arith.constant true
      %reduce_sum3A_171 = vector.broadcast %reduce_sum3A_170 : i1 to vector<16xi1>
      %reduce_sum3A_172 = tpu.scan <sum>, %mul3A_169 masked %reduce_sum3A_171 : vector<16xf32>, vector<16xi1> -> vector<16xf32>
      %reduce_sum3A_173 = vector.extract %reduce_sum3A_172[15] : f32 from vector<16xf32>
      %iota3A_174 = tpu.iota {dimensions = array<i32: 0>} : vector<16xi32>
      %eq3A_175 = arith.constant 6 : i32
      %eq3A_176 = vector.broadcast %eq3A_175 : i32 to vector<16xi32>
      %eq3A_177 = arith.cmpi eq, %iota3A_174, %eq3A_176 : vector<16xi32>
      %broadcast_in_dim3A_178 = vector.broadcast %reduce_sum3A_173 : f32 to vector<16xf32>
      %select_n3A_179 = arith.select %eq3A_177, %broadcast_in_dim3A_178, %select_n3A_158 : vector<16xi1>, vector<16xf32>
      %mul3A_180 = arith.constant 16 : i32
      %mul3A_181 = arith.muli %add3A_36, %mul3A_180 : i32
      %add3A_182 = arith.constant 7 : i32
      %add3A_183 = arith.addi %mul3A_181, %add3A_182 : i32
      %get3A_184 = arith.index_cast %add3A_183 : i32 to index
      %get3A_185 = arith.constant 0 : index
      %get3A_186 = tpu.vector_load %arg9[%get3A_184, %get3A_185] {strides = array<i32>} : memref<80x128xf32, #tpu.memory_space<vmem>>, vector<16xf32>,
      %get3A_187 = arith.index_cast %add3A_183 : i32 to index
      %get3A_188 = arith.constant 0 : index
      %get3A_189 = tpu.vector_load %arg10[%get3A_187, %get3A_188] {strides = array<i32>} : memref<80x128xf32, #tpu.memory_space<vmem>>, vector<16xf32>,
      %mul3A_190 = arith.mulf %get3A_186, %get3A_189 : vector<16xf32>
      %reduce_sum3A_191 = arith.constant true
      %reduce_sum3A_192 = vector.broadcast %reduce_sum3A_191 : i1 to vector<16xi1>
      %reduce_sum3A_193 = tpu.scan <sum>, %mul3A_190 masked %reduce_sum3A_192 : vector<16xf32>, vector<16xi1> -> vector<16xf32>
      %reduce_sum3A_194 = vector.extract %reduce_sum3A_193[15] : f32 from vector<16xf32>
      %iota3A_195 = tpu.iota {dimensions = array<i32: 0>} : vector<16xi32>
      %eq3A_196 = arith.constant 7 : i32
      %eq3A_197 = vector.broadcast %eq3A_196 : i32 to vector<16xi32>
      %eq3A_198 = arith.cmpi eq, %iota3A_195, %eq3A_197 : vector<16xi32>
      %broadcast_in_dim3A_199 = vector.broadcast %reduce_sum3A_194 : f32 to vector<16xf32>
      %select_n3A_200 = arith.select %eq3A_198, %broadcast_in_dim3A_199, %select_n3A_179 : vector<16xi1>, vector<16xf32>
      %mul3A_201 = arith.constant 16 : i32
      %mul3A_202 = arith.muli %add3A_36, %mul3A_201 : i32
      %add3A_203 = arith.constant 8 : i32
      %add3A_204 = arith.addi %mul3A_202, %add3A_203 : i32
      %get3A_205 = arith.index_cast %add3A_204 : i32 to index
      %get3A_206 = arith.constant 0 : index
      %get3A_207 = tpu.vector_load %arg9[%get3A_205, %get3A_206] {strides = array<i32>} : memref<80x128xf32, #tpu.memory_space<vmem>>, vector<16xf32>,
      %get3A_208 = arith.index_cast %add3A_204 : i32 to index
      %get3A_209 = arith.constant 0 : index
      %get3A_210 = tpu.vector_load %arg10[%get3A_208, %get3A_209] {strides = array<i32>} : memref<80x128xf32, #tpu.memory_space<vmem>>, vector<16xf32>,
      %mul3A_211 = arith.mulf %get3A_207, %get3A_210 : vector<16xf32>
      %reduce_sum3A_212 = arith.constant true
      %reduce_sum3A_213 = vector.broadcast %reduce_sum3A_212 : i1 to vector<16xi1>
      %reduce_sum3A_214 = tpu.scan <sum>, %mul3A_211 masked %reduce_sum3A_213 : vector<16xf32>, vector<16xi1> -> vector<16xf32>
      %reduce_sum3A_215 = vector.extract %reduce_sum3A_214[15] : f32 from vector<16xf32>
      %iota3A_216 = tpu.iota {dimensions = array<i32: 0>} : vector<16xi32>
      %eq3A_217 = arith.constant 8 : i32
      %eq3A_218 = vector.broadcast %eq3A_217 : i32 to vector<16xi32>
      %eq3A_219 = arith.cmpi eq, %iota3A_216, %eq3A_218 : vector<16xi32>
      %broadcast_in_dim3A_220 = vector.broadcast %reduce_sum3A_215 : f32 to vector<16xf32>
      %select_n3A_221 = arith.select %eq3A_219, %broadcast_in_dim3A_220, %select_n3A_200 : vector<16xi1>, vector<16xf32>
      %mul3A_222 = arith.constant 16 : i32
      %mul3A_223 = arith.muli %add3A_36, %mul3A_222 : i32
      %add3A_224 = arith.constant 9 : i32
      %add3A_225 = arith.addi %mul3A_223, %add3A_224 : i32
      %get3A_226 = arith.index_cast %add3A_225 : i32 to index
      %get3A_227 = arith.constant 0 : index
      %get3A_228 = tpu.vector_load %arg9[%get3A_226, %get3A_227] {strides = array<i32>} : memref<80x128xf32, #tpu.memory_space<vmem>>, vector<16xf32>,
      %get3A_229 = arith.index_cast %add3A_225 : i32 to index
      %get3A_230 = arith.constant 0 : index
      %get3A_231 = tpu.vector_load %arg10[%get3A_229, %get3A_230] {strides = array<i32>} : memref<80x128xf32, #tpu.memory_space<vmem>>, vector<16xf32>,
      %mul3A_232 = arith.mulf %get3A_228, %get3A_231 : vector<16xf32>
      %reduce_sum3A_233 = arith.constant true
      %reduce_sum3A_234 = vector.broadcast %reduce_sum3A_233 : i1 to vector<16xi1>
      %reduce_sum3A_235 = tpu.scan <sum>, %mul3A_232 masked %reduce_sum3A_234 : vector<16xf32>, vector<16xi1> -> vector<16xf32>
      %reduce_sum3A_236 = vector.extract %reduce_sum3A_235[15] : f32 from vector<16xf32>
      %iota3A_237 = tpu.iota {dimensions = array<i32: 0>} : vector<16xi32>
      %eq3A_238 = arith.constant 9 : i32
      %eq3A_239 = vector.broadcast %eq3A_238 : i32 to vector<16xi32>
      %eq3A_240 = arith.cmpi eq, %iota3A_237, %eq3A_239 : vector<16xi32>
      %broadcast_in_dim3A_241 = vector.broadcast %reduce_sum3A_236 : f32 to vector<16xf32>
      %select_n3A_242 = arith.select %eq3A_240, %broadcast_in_dim3A_241, %select_n3A_221 : vector<16xi1>, vector<16xf32>
      %mul3A_243 = arith.constant 16 : i32
      %mul3A_244 = arith.muli %add3A_36, %mul3A_243 : i32
      %add3A_245 = arith.constant 10 : i32
      %add3A_246 = arith.addi %mul3A_244, %add3A_245 : i32
      %get3A_247 = arith.index_cast %add3A_246 : i32 to index
      %get3A_248 = arith.constant 0 : index
      %get3A_249 = tpu.vector_load %arg9[%get3A_247, %get3A_248] {strides = array<i32>} : memref<80x128xf32, #tpu.memory_space<vmem>>, vector<16xf32>,
      %get3A_250 = arith.index_cast %add3A_246 : i32 to index
      %get3A_251 = arith.constant 0 : index
      %get3A_252 = tpu.vector_load %arg10[%get3A_250, %get3A_251] {strides = array<i32>} : memref<80x128xf32, #tpu.memory_space<vmem>>, vector<16xf32>,
      %mul3A_253 = arith.mulf %get3A_249, %get3A_252 : vector<16xf32>
      %reduce_sum3A_254 = arith.constant true
      %reduce_sum3A_255 = vector.broadcast %reduce_sum3A_254 : i1 to vector<16xi1>
      %reduce_sum3A_256 = tpu.scan <sum>, %mul3A_253 masked %reduce_sum3A_255 : vector<16xf32>, vector<16xi1> -> vector<16xf32>
      %reduce_sum3A_257 = vector.extract %reduce_sum3A_256[15] : f32 from vector<16xf32>
      %iota3A_258 = tpu.iota {dimensions = array<i32: 0>} : vector<16xi32>
      %eq3A_259 = arith.constant 10 : i32
      %eq3A_260 = vector.broadcast %eq3A_259 : i32 to vector<16xi32>
      %eq3A_261 = arith.cmpi eq, %iota3A_258, %eq3A_260 : vector<16xi32>
      %broadcast_in_dim3A_262 = vector.broadcast %reduce_sum3A_257 : f32 to vector<16xf32>
      %select_n3A_263 = arith.select %eq3A_261, %broadcast_in_dim3A_262, %select_n3A_242 : vector<16xi1>, vector<16xf32>
      %mul3A_264 = arith.constant 16 : i32
      %mul3A_265 = arith.muli %add3A_36, %mul3A_264 : i32
      %add3A_266 = arith.constant 11 : i32
      %add3A_267 = arith.addi %mul3A_265, %add3A_266 : i32
      %get3A_268 = arith.index_cast %add3A_267 : i32 to index
      %get3A_269 = arith.constant 0 : index
      %get3A_270 = tpu.vector_load %arg9[%get3A_268, %get3A_269] {strides = array<i32>} : memref<80x128xf32, #tpu.memory_space<vmem>>, vector<16xf32>,
      %get3A_271 = arith.index_cast %add3A_267 : i32 to index
      %get3A_272 = arith.constant 0 : index
      %get3A_273 = tpu.vector_load %arg10[%get3A_271, %get3A_272] {strides = array<i32>} : memref<80x128xf32, #tpu.memory_space<vmem>>, vector<16xf32>,
      %mul3A_274 = arith.mulf %get3A_270, %get3A_273 : vector<16xf32>
      %reduce_sum3A_275 = arith.constant true
      %reduce_sum3A_276 = vector.broadcast %reduce_sum3A_275 : i1 to vector<16xi1>
      %reduce_sum3A_277 = tpu.scan <sum>, %mul3A_274 masked %reduce_sum3A_276 : vector<16xf32>, vector<16xi1> -> vector<16xf32>
      %reduce_sum3A_278 = vector.extract %reduce_sum3A_277[15] : f32 from vector<16xf32>
      %iota3A_279 = tpu.iota {dimensions = array<i32: 0>} : vector<16xi32>
      %eq3A_280 = arith.constant 11 : i32
      %eq3A_281 = vector.broadcast %eq3A_280 : i32 to vector<16xi32>
      %eq3A_282 = arith.cmpi eq, %iota3A_279, %eq3A_281 : vector<16xi32>
      %broadcast_in_dim3A_283 = vector.broadcast %reduce_sum3A_278 : f32 to vector<16xf32>
      %select_n3A_284 = arith.select %eq3A_282, %broadcast_in_dim3A_283, %select_n3A_263 : vector<16xi1>, vector<16xf32>
      %mul3A_285 = arith.constant 16 : i32
      %mul3A_286 = arith.muli %add3A_36, %mul3A_285 : i32
      %add3A_287 = arith.constant 12 : i32
      %add3A_288 = arith.addi %mul3A_286, %add3A_287 : i32
      %get3A_289 = arith.index_cast %add3A_288 : i32 to index
      %get3A_290 = arith.constant 0 : index
      %get3A_291 = tpu.vector_load %arg9[%get3A_289, %get3A_290] {strides = array<i32>} : memref<80x128xf32, #tpu.memory_space<vmem>>, vector<16xf32>,
      %get3A_292 = arith.index_cast %add3A_288 : i32 to index
      %get3A_293 = arith.constant 0 : index
      %get3A_294 = tpu.vector_load %arg10[%get3A_292, %get3A_293] {strides = array<i32>} : memref<80x128xf32, #tpu.memory_space<vmem>>, vector<16xf32>,
      %mul3A_295 = arith.mulf %get3A_291, %get3A_294 : vector<16xf32>
      %reduce_sum3A_296 = arith.constant true
      %reduce_sum3A_297 = vector.broadcast %reduce_sum3A_296 : i1 to vector<16xi1>
      %reduce_sum3A_298 = tpu.scan <sum>, %mul3A_295 masked %reduce_sum3A_297 : vector<16xf32>, vector<16xi1> -> vector<16xf32>
      %reduce_sum3A_299 = vector.extract %reduce_sum3A_298[15] : f32 from vector<16xf32>
      %iota3A_300 = tpu.iota {dimensions = array<i32: 0>} : vector<16xi32>
      %eq3A_301 = arith.constant 12 : i32
      %eq3A_302 = vector.broadcast %eq3A_301 : i32 to vector<16xi32>
      %eq3A_303 = arith.cmpi eq, %iota3A_300, %eq3A_302 : vector<16xi32>
      %broadcast_in_dim3A_304 = vector.broadcast %reduce_sum3A_299 : f32 to vector<16xf32>
      %select_n3A_305 = arith.select %eq3A_303, %broadcast_in_dim3A_304, %select_n3A_284 : vector<16xi1>, vector<16xf32>
      %mul3A_306 = arith.constant 16 : i32
      %mul3A_307 = arith.muli %add3A_36, %mul3A_306 : i32
      %add3A_308 = arith.constant 13 : i32
      %add3A_309 = arith.addi %mul3A_307, %add3A_308 : i32
      %get3A_310 = arith.index_cast %add3A_309 : i32 to index
      %get3A_311 = arith.constant 0 : index
      %get3A_312 = tpu.vector_load %arg9[%get3A_310, %get3A_311] {strides = array<i32>} : memref<80x128xf32, #tpu.memory_space<vmem>>, vector<16xf32>,
      %get3A_313 = arith.index_cast %add3A_309 : i32 to index
      %get3A_314 = arith.constant 0 : index
      %get3A_315 = tpu.vector_load %arg10[%get3A_313, %get3A_314] {strides = array<i32>} : memref<80x128xf32, #tpu.memory_space<vmem>>, vector<16xf32>,
      %mul3A_316 = arith.mulf %get3A_312, %get3A_315 : vector<16xf32>
      %reduce_sum3A_317 = arith.constant true
      %reduce_sum3A_318 = vector.broadcast %reduce_sum3A_317 : i1 to vector<16xi1>
      %reduce_sum3A_319 = tpu.scan <sum>, %mul3A_316 masked %reduce_sum3A_318 : vector<16xf32>, vector<16xi1> -> vector<16xf32>
      %reduce_sum3A_320 = vector.extract %reduce_sum3A_319[15] : f32 from vector<16xf32>
      %iota3A_321 = tpu.iota {dimensions = array<i32: 0>} : vector<16xi32>
      %eq3A_322 = arith.constant 13 : i32
      %eq3A_323 = vector.broadcast %eq3A_322 : i32 to vector<16xi32>
      %eq3A_324 = arith.cmpi eq, %iota3A_321, %eq3A_323 : vector<16xi32>
      %broadcast_in_dim3A_325 = vector.broadcast %reduce_sum3A_320 : f32 to vector<16xf32>
      %select_n3A_326 = arith.select %eq3A_324, %broadcast_in_dim3A_325, %select_n3A_305 : vector<16xi1>, vector<16xf32>
      %mul3A_327 = arith.constant 16 : i32
      %mul3A_328 = arith.muli %add3A_36, %mul3A_327 : i32
      %add3A_329 = arith.constant 14 : i32
      %add3A_330 = arith.addi %mul3A_328, %add3A_329 : i32
      %get3A_331 = arith.index_cast %add3A_330 : i32 to index
      %get3A_332 = arith.constant 0 : index
      %get3A_333 = tpu.vector_load %arg9[%get3A_331, %get3A_332] {strides = array<i32>} : memref<80x128xf32, #tpu.memory_space<vmem>>, vector<16xf32>,
      %get3A_334 = arith.index_cast %add3A_330 : i32 to index
      %get3A_335 = arith.constant 0 : index
      %get3A_336 = tpu.vector_load %arg10[%get3A_334, %get3A_335] {strides = array<i32>} : memref<80x128xf32, #tpu.memory_space<vmem>>, vector<16xf32>,
      %mul3A_337 = arith.mulf %get3A_333, %get3A_336 : vector<16xf32>
      %reduce_sum3A_338 = arith.constant true
      %reduce_sum3A_339 = vector.broadcast %reduce_sum3A_338 : i1 to vector<16xi1>
      %reduce_sum3A_340 = tpu.scan <sum>, %mul3A_337 masked %reduce_sum3A_339 : vector<16xf32>, vector<16xi1> -> vector<16xf32>
      %reduce_sum3A_341 = vector.extract %reduce_sum3A_340[15] : f32 from vector<16xf32>
      %iota3A_342 = tpu.iota {dimensions = array<i32: 0>} : vector<16xi32>
      %eq3A_343 = arith.constant 14 : i32
      %eq3A_344 = vector.broadcast %eq3A_343 : i32 to vector<16xi32>
      %eq3A_345 = arith.cmpi eq, %iota3A_342, %eq3A_344 : vector<16xi32>
      %broadcast_in_dim3A_346 = vector.broadcast %reduce_sum3A_341 : f32 to vector<16xf32>
      %select_n3A_347 = arith.select %eq3A_345, %broadcast_in_dim3A_346, %select_n3A_326 : vector<16xi1>, vector<16xf32>
      %mul3A_348 = arith.constant 16 : i32
      %mul3A_349 = arith.muli %add3A_36, %mul3A_348 : i32
      %add3A_350 = arith.constant 15 : i32
      %add3A_351 = arith.addi %mul3A_349, %add3A_350 : i32
      %get3A_352 = arith.index_cast %add3A_351 : i32 to index
      %get3A_353 = arith.constant 0 : index
      %get3A_354 = tpu.vector_load %arg9[%get3A_352, %get3A_353] {strides = array<i32>} : memref<80x128xf32, #tpu.memory_space<vmem>>, vector<16xf32>,
      %get3A_355 = arith.index_cast %add3A_351 : i32 to index
      %get3A_356 = arith.constant 0 : index
      %get3A_357 = tpu.vector_load %arg10[%get3A_355, %get3A_356] {strides = array<i32>} : memref<80x128xf32, #tpu.memory_space<vmem>>, vector<16xf32>,
      %mul3A_358 = arith.mulf %get3A_354, %get3A_357 : vector<16xf32>
      %reduce_sum3A_359 = arith.constant true
      %reduce_sum3A_360 = vector.broadcast %reduce_sum3A_359 : i1 to vector<16xi1>
      %reduce_sum3A_361 = tpu.scan <sum>, %mul3A_358 masked %reduce_sum3A_360 : vector<16xf32>, vector<16xi1> -> vector<16xf32>
      %reduce_sum3A_362 = vector.extract %reduce_sum3A_361[15] : f32 from vector<16xf32>
      %iota3A_363 = tpu.iota {dimensions = array<i32: 0>} : vector<16xi32>
      %eq3A_364 = arith.constant 15 : i32
      %eq3A_365 = vector.broadcast %eq3A_364 : i32 to vector<16xi32>
      %eq3A_366 = arith.cmpi eq, %iota3A_363, %eq3A_365 : vector<16xi32>
      %broadcast_in_dim3A_367 = vector.broadcast %reduce_sum3A_362 : f32 to vector<16xf32>
      %select_n3A_368 = arith.select %eq3A_366, %broadcast_in_dim3A_367, %select_n3A_347 : vector<16xi1>, vector<16xf32>
      %neg3A = arith.constant 0.000000e+00 : f32
      %neg3A_369 = vector.broadcast %neg3A : f32 to vector<16xf32>
      %neg3A_370 = arith.subf %neg3A_369, %select_n3A_368 : vector<16xf32>
      %exp3A = math.exp %neg3A_370 : vector<16xf32>
      %add3A_371 = arith.constant 1.000000e+00 : f32
      %add3A_372 = vector.broadcast %add3A_371 : f32 to vector<16xf32>
      %add3A_373 = arith.addf %add3A_372, %exp3A : vector<16xf32>
      %div3A = arith.constant 1.000000e+00 : f32
      %div3A_374 = vector.broadcast %div3A : f32 to vector<16xf32>
      %div3A_375 = arith.divf %div3A_374, %add3A_373 : vector<16xf32>
      %mul3A_376 = arith.constant 16 : i32
      %mul3A_377 = arith.muli %add3A_36, %mul3A_376 : i32
      %add3A_378 = arith.constant 9920 : i32
      %add3A_379 = arith.addi %add3A_378, %mul3A_377 : i32
      %swap3A = arith.index_cast %add3A_379 : i32 to index
      %swap3A_380 = tpu.vector_load %arg13[%swap3A] {strides = array<i32>} : memref<10000xf32, #tpu.memory_space<vmem>>, vector<16xf32>,
      tpu.vector_store %arg13[%swap3A], %div3A_375 {strides = array<i32>} : memref<10000xf32, #tpu.memory_space<vmem>>, vector<16xf32>,
    }
    %scan3A_31 = arith.constant 5 : i32
    "tpu.region"() ({
      %run_scoped3A = tpu.sem_alloc : memref<!tpu.dma_semaphore, #tpu.memory_space<semaphore_mem>>
      %dma_start3A_32 = tpu.memref_slice %arg6[%mul3A_2] : memref<320000xf32, #tpu.memory_space<hbm>> -> memref<10000xf32, #tpu.memory_space<hbm>>
      %dma_start3A_33 = tpu.memref_slice %arg6[%mul3A_2] : memref<320000xf32, #tpu.memory_space<hbm>> -> memref<10000xf32, #tpu.memory_space<hbm>>
      tpu.enqueue_dma source(%arg13 : memref<10000xf32, #tpu.memory_space<vmem>>) target(%dma_start3A_33 : memref<10000xf32, #tpu.memory_space<hbm>>) target_semaphore(%run_scoped3A : memref<!tpu.dma_semaphore, #tpu.memory_space<semaphore_mem>>)
      %dma_wait3A_34 = tpu.memref_slice %arg6[%mul3A_2] : memref<320000xf32, #tpu.memory_space<hbm>> -> memref<10000xf32, #tpu.memory_space<hbm>>
      %dma_wait3A_35 = tpu.memref_slice %arg6[%mul3A_2] : memref<320000xf32, #tpu.memory_space<hbm>> -> memref<10000xf32, #tpu.memory_space<hbm>>
      tpu.wait_dma2 semaphore(%run_scoped3A : memref<!tpu.dma_semaphore, #tpu.memory_space<semaphore_mem>>) src(%arg13 : memref<10000xf32, #tpu.memory_space<vmem>>) dst(%dma_wait3A_35 : memref<10000xf32, #tpu.memory_space<hbm>>)
      tpu.yield
    }) : () -> ()
    return
  }
}

</mosaic_0001>

<sc_bundles>
// kernel: kernel.3.cloned.1.call-start
scs
__scs_entry_jumppad:
0x0: {  	(pc) =	sbr.rel $0x88, $3  }
0x1: {  	(tag) =	ssettag $0x0;
	lr =	simm.s32 $0x1  }
0x2: {  	[smem:$0x3F9E] =	sst lr;
	_ =	strace $0xD0000000  }
0x3: {  	_ = 	snop  }
0x4: {  	_ = 	snop  }
0x5: {  	_ = 	snop  }
0x6: {  	_ = 	snop  }
0x7: {  	_ = 	snop  }
__scs_overlays_trampoline_lowered:
0x8: {  	[smem:$0x3FAD] =	sst s0  }
0x9: {  	[smem:$0x3FAE] =	sst s1  }
0xa: {  	[smem:$0x3FAF] =	sst s2  }
0xb: {  	[smem:$0x3FB0] =	sst s3  }
0xc: {  	[smem:$0x3FB1] =	sst s4  }
0xd: {  	[smem:$0x3FB2] =	sst s5  }
0xe: {  	[smem:$0x3FB3] =	sst s6  }
0xf: {  	[smem:$0x3FB4] =	sst s7  }
0x10: {  	[smem:$0x3FB5] =	sst s8  }
0x11: {  	[smem:$0x3FB6] =	sst s9;
	s0 =	simm.s32 @!p0 $0x0  }
0x12: {  	s1 =	sld [smem:$0x3F9C];
	s0 =	simm.s32 @p0 $0x1  }
0x13: {  	[smem:$0x3FB7] =	sst s0;
	s0 =	simm.s32 @!p1 $0x0  }
0x14: {  	s2 =	sld [smem:$0x3F9B];
	s0 =	simm.s32 @p1 $0x1  }
0x15: {  	[smem:$0x3FB8] =	sst s0;
	s0 =	simm.s32 @!p2 $0x0  }
0x16: {  	s3 =	sld [smem:$0x3FDB];
	s0 =	simm.s32 @p2 $0x1  }
0x17: {  	s4 =	simm.s32 $0x1BF5;
	[smem:$0x3FBA] =	sst s0  }
0x18: {  	s0 =	sld [smem:$0x3F9D];
	_ =	swait.ge [sflag:s4], $0x0  }
0x19: {  	s7 =	sld [smem:$0x3F9E]  }
0x1a: {  	s8 =	sadd.s32 $0xFFFFE003, lr  }
0x1b: {  	s9 =	sadd.s32 $0xFFFFFEF7, lr;
	s5 =	simm.s32 $0xFFFFFFFF;
	p2 =	slt.u32 s8, $0xFFFFF086  }
0x1c: {  	p1 =	slt.u32 s9, $0xF7A;
	s5 =	simm.s32 @!p2 $0x0  }
0x1d: {  	s5 =	simm.s32 @p1 $0x1;
	p0 =	seq.s32 s7, s2  }
0x1e: {  	s7 =	smul.u32 @!p0 $0xF7A, s2;
	p2 =	seq.s32 @!p0 s5, $0x0  }
0x1f: {  	s9 =	smul.u32 $0xF7A, s1;
	s8 =	simm.s32 @!p0 $0x1BF5;
	p2 =	por !p2, p0  }
0x20: {  	[sflag:s8] =	ssyncset.s32 @!p0 $0xFFFFF086;
	s6 =	sadd.s32 @!p0 s3, s7;
	s7 =	simm.s32 @!p0 $0x108  }
0x21: {  	s3 =	sadd.s32 s3, s9;
	s6 =	sadd.s32 @!p0 $0x88, s6;
	s7 =	simm.s32 @p2 $0x1082  }
0x22: {  	[simem:s7], [sflag:s8] =	dma.local @!p0 [hbm:s6], $0xF7A  }
0x23: {  	s9 =	sor.u32 $0xD0000000, s2;
	s6 =	simm.s32 $0x108;
	_ =	swait.ge @!p0 [sflag:s8], $0x0  }
0x24: {  	s3 =	sadd.s32 $0x88, s3;
	s6 =	simm.s32 @!p1 $0x1082;
	[sflag:s4] =	ssyncset.s32 $0xFFFFF086  }
0x25: {  	[simem:s6], [sflag:s4] =	dma.local [hbm:s3], $0xF7A  }
0x26: {  	[smem:$0x3F9E] =	sst s1;
	(tag) =	ssettag s2;
	_ =	strace s9  }
0x27: {  	s1 =	sld [smem:$0x3FAE]  }
0x28: {  	s2 =	sld [smem:$0x3FAF]  }
0x29: {  	s4 =	sld [smem:$0x3FB1]  }
0x2a: {  	p0 =	seq.s32 s5, $0x0;
	s5 =	sld [smem:$0x3FB2]  }
0x2b: {  	s6 =	sld [smem:$0x3FB3]  }
0x2c: {  	s7 =	sld [smem:$0x3FB4]  }
0x2d: {  	s3 =	simm.s32 $0x108;
	s8 =	sld [smem:$0x3FB5]  }
0x2e: {  	s3 =	simm.s32 @!p0 $0x1082;
	s9 =	sld [smem:$0x3FB6]  }
0x2f: {  	lr =	sadd.s32 s0, s3;
	s0 =	sld [smem:$0x3FAD]  }
0x30: {  	s3 =	sld [smem:$0x3FB0]  }
0x31: {  	[smem:$0x3FB9] =	sst s10  }
0x32: {  	s10 =	sld [smem:$0x3FB7];
	_ =	sdelay $0x3  }
0x33: {  	p0 =	seq.s32 s10, $0x1;
	s10 =	sld [smem:$0x3FB9];
	_ =	sdelay $0x3  }
0x34: {  	[smem:$0x3FB9] =	sst s10  }
0x35: {  	s10 =	sld [smem:$0x3FB8];
	_ =	sdelay $0x3  }
0x36: {  	p1 =	seq.s32 s10, $0x1;
	s10 =	sld [smem:$0x3FB9];
	_ =	sdelay $0x3  }
0x37: {  	[smem:$0x3FB9] =	sst s10  }
0x38: {  	s10 =	sld [smem:$0x3FBA]  }
0x39: {  	_ = 	snop;
	(pc) =	sbr.ind lr, $3  }
0x3a: {  	_ = 	snop  }
0x3b: {  	_ = 	snop  }
0x3c: {  	p2 =	seq.s32 s10, $0x1;
	s10 =	sld [smem:$0x3FB9]  }
0x3d: {  	_ =	shalt  }
0x3e: {  	_ =	shalt  }
0x3f: {  	_ =	shalt  }
0x40: {  	_ =	shalt  }
0x41: {  	_ =	shalt  }
0x42: {  	_ =	shalt  }
0x43: {  	_ =	shalt  }
0x44: {  	_ =	shalt  }
0x45: {  	_ =	shalt  }
0x46: {  	_ =	shalt  }
0x47: {  	_ =	shalt  }
0x48: {  	_ =	shalt  }
0x49: {  	_ =	shalt  }
0x4a: {  	_ =	shalt  }
0x4b: {  	_ =	shalt  }
0x4c: {  	_ =	shalt  }
0x4d: {  	_ =	shalt  }
0x4e: {  	_ =	shalt  }
0x4f: {  	_ =	shalt  }
0x50: {  	_ =	shalt  }
0x51: {  	_ =	shalt  }
0x52: {  	_ =	shalt  }
0x53: {  	_ =	shalt  }
0x54: {  	_ =	shalt  }
0x55: {  	_ =	shalt  }
0x56: {  	_ =	shalt  }
0x57: {  	_ =	shalt  }
0x58: {  	_ =	shalt  }
0x59: {  	_ =	shalt  }
0x5a: {  	_ =	shalt  }
0x5b: {  	_ =	shalt  }
0x5c: {  	_ =	shalt  }
0x5d: {  	_ =	shalt  }
0x5e: {  	_ =	shalt  }
0x5f: {  	_ =	shalt  }
0x60: {  	_ =	shalt  }
0x61: {  	_ =	shalt  }
0x62: {  	_ =	shalt  }
0x63: {  	_ =	shalt  }
0x64: {  	_ =	shalt  }
0x65: {  	_ =	shalt  }
0x66: {  	_ =	shalt  }
0x67: {  	_ =	shalt  }
0x68: {  	_ =	shalt  }
0x69: {  	_ =	shalt  }
0x6a: {  	_ =	shalt  }
0x6b: {  	_ =	shalt  }
0x6c: {  	_ =	shalt  }
0x6d: {  	_ =	shalt  }
0x6e: {  	_ =	shalt  }
0x6f: {  	_ =	shalt  }
0x70: {  	_ =	shalt  }
0x71: {  	_ =	shalt  }
0x72: {  	_ =	shalt  }
0x73: {  	_ =	shalt  }
0x74: {  	_ =	shalt  }
0x75: {  	_ =	shalt  }
0x76: {  	_ =	shalt  }
0x77: {  	_ =	shalt  }
0x78: {  	_ =	shalt  }
0x79: {  	_ =	shalt  }
0x7a: {  	_ =	shalt  }
0x7b: {  	_ =	shalt  }
0x7c: {  	_ =	shalt  }
0x7d: {  	_ =	shalt  }
0x7e: {  	_ =	shalt  }
0x7f: {  	_ =	shalt  }
0x80: {  	_ =	shalt  }
0x81: {  	_ =	shalt  }
0x82: {  	_ =	shalt  }
0x83: {  	_ =	shalt  }
0x84: {  	_ =	shalt  }
0x85: {  	_ =	shalt  }
0x86: {  	_ =	shalt  }
0x87: {  	_ =	shalt  }
.Lfunc_end0:
.L_simem_size_0:
called_computation_lowered:
.L_overlay_start_0:
0x88: {  	s2 =	sld [smem:$0x3FD9]  }
0x89: {  	s3 =	sld [smem:$0x3FFE];
	_ =	sdelay $0x1  }
0x8a: {  	s1 =	srdreg.scid  }
0x8b: {  	s0 =	sand.u32 $0x1, s1  }
0x8c: {  	s17 =	sshll.u32 s0, $0xA;
	s2 =	sadd.s32 s3, s2  }
0x8d: {  	s2 =	sadd.s32 s2, s17  }
0x8e: {  	[smem:$0x3FC5] =	sst s2  }
0x8f: {  	_ = 	snop  }
0x90: {  	s2 =	sld [smem:$0x3FC9]  }
0x91: {  	s18 =	sld [smem:$0x3FC8];
	(tm) =	ssettm $0x1  }
0x92: {  	s4 =	sld [smem:$0x3FFB];
	_ =	sdelay $0x3  }
0x93: {  	_ =	strace s4  }
0x94: {  	s4 =	sld [smem:$0x3FFC];
	_ =	sdelay $0x3  }
0x95: {  	_ =	strace s4  }
0x96: {  	s4 =	sld [smem:$0x3FFD];
	_ =	sdelay $0x3  }
0x97: {  	_ =	strace s4  }
0x98: {  	_ =	strace $0x8FFFFFFF  }
0x99: {  	s19 =	sld [smem:$0x3FDB];
	_ =	sdelay $0x1  }
0x9a: {  	s5 =	simm.s32 $_scs_section_size  }
0x9b: {  	s6 =	simm.s32 $_size__tile_overlayer_lowered;
	s7 =	simm.s32 $_tile_overlayer_lowered  }
0x9c: {  	s22 =	simm.s32 $0x1BFF;
	s21 =	sshll.u32 s7, $0x1;
	s4 =	sadd.s32 s5, s19  }
0x9d: {  	s8 =	simm.s32 $0x0;
	s20 =	sshll.u32 s6, $0x1;
	s6 =	sadd.s32 s21, s4  }
0x9e: {  	[timem:s8], [sflag:s22] =	dma.local [hbm:s6], s20  }
0x9f: {  	_ =	swait.ge [sflag:s22], s20  }
0xa0: {  	s5 =	ssub.s32 $0x0, s20;
	[sflag:s22] =	ssyncset.done $0x0  }
0xa1: {  	[sflag:s22] =	ssyncadd.s32 s5;
	_ =	sdelay $0x1  }
0xa2: {  	s23 =	simm.s32 $0x1B8B  }
0xa3: {  	_ =	swait.ge [sflag:s23], $0x1  }
0xa4: {  	[sflag:s23] =	ssyncset.done $0x0  }
0xa5: {  	s25 =	simm.s32 $0x1B8E;
	s24 =	sld [smem:$0x3FFE];
	[sflag:s23] =	ssyncadd.s32 $0xFFFFFFFF  }
0xa6: {  	s26 =	simm.s32 $execute0_lowered;
	[smem:$0x3FD2] =	sst s25  }
0xa7: {  	s6 =	sshll.u32 s26, $0x1;
	_ =	strace $0x80000046;
	[dreg:$0x1] =	wrdreg $0xFFFFFFFF  }
0xa8: {  	s28 =	simm.s32 $_size_execute0_lowered;
	s4 =	sadd.s32 s4, s6;
	[dreg:$0x0] =	wrdreg $0x0  }
0xa9: {  	s6 =	sshll.u32 s28, $0x1;
	[dreg:$0x2] =	wrdreg s4  }
0xaa: {  	[dreg:$0x3] =	wrdreg s6  }
0xab: {  	[dreg:$0x4] =	wrdreg $0xC0  }
0xac: {  	_ =	task [dreg:s8], $0x5FFFF  }
0xad: {  	[dreg:$0x1] =	wrdreg $0xFFFFFFFF  }
0xae: {  	[dreg:$0x0] =	wrdreg $0x60  }
0xaf: {  	[dreg:$0x2] =	wrdreg s2  }
0xb0: {  	[dreg:$0x3] =	wrdreg s18  }
0xb1: {  	[dreg:$0x4] =	wrdreg s24  }
0xb2: {  	[dreg:$0x5] =	wrdreg $0x9  }
0xb3: {  	_ =	task.clear_ibuf [dreg:s8], $0x6FFFF;
	_ =	strace $0x90000046  }
0xb4: {  	s29 =	simm.s32 $0x9;
	_ =	strace $0x80000048  }
0xb5: {  	_ =	swait.ge [sflag:s29], $0x1  }
0xb6: {  	[sflag:s29] =	ssyncadd.s32 $0xFFFFFFFF  }
0xb7: {  	_ =	strace $0x90000048  }
0xb8: {  	_ =	sfence  }
0xb9: {  	s30 =	sld [smem:$0x0];
	_ =	sdelay $0x2  }
0xba: {  	s31 =	sshll.u32 s1, $0xD;
	s1 =	sshrl.u32 s1, $0x2  }
0xbb: {  	s3 =	sand.u32 $0x4000, s31;
	s1 =	sadd.s32 s1, s30  }
0xbc: {  	s0 =	sor.u32 s3, s0;
	s1 =	sshll.u32 s1, $0x11  }
0xbd: {  	s0 =	sor.u32 s1, s0  }
0xbe: {  	s0 =	sadd.s32 $0x8F2B, s0  }
0xbf: {  	[sflag:s0] =	ssyncadd.remote.s32 $0x1  }
0xc0: {  	_ =	sfence.sel $0xFFFF  }
0xc1: {  	[dreg:$0x0] =	wrdreg $0xFFFFFFFF;
	(pc) =	sbr.abs _section_cstart, $3  }
0xc2: {  	[dreg:$0x1] =	wrdreg $0xFFFFFFFF  }
0xc3: {  	_ =	task.clear_ibuf [dreg:s8], $0x2FFFF;
	_ =	strace $0x9FFFFFFF  }
0xc4: {  	(tm) =	ssettm $0x7FFFFFFF  }
0xc5: {  	_ =	shalt  }
tec
execute0_lowered:
.L_overlay_start_1:
0x0: {  	(tag) =	ssettag $0x1  }
0x1: {  	s1 =	rddreg [dreg:$0x0];
	s2 =	srdreg.scid  }
0x2: {  	s0 =	stileid.u32;
	s3 =	rddreg [dreg:$0x1]  }
0x3: {  	s6 =	rddreg [dreg:$0x2];
	s4 =	simm.s32 $0x0;
	s10 =	simm.s32 $0x2780  }
0x4: {  	s11 =	simm.s32 $0x50;
	s12 =	simm.s32 $0x4F00;
	s13 =	simm.s32 $0x7700  }
0x5: {  	s14 =	simm.s32 $0x9F00;
	s15 =	simm.s32 $0xC700;
	s16 =	simm.s32 $0x1  }
0x6: {  	s17 =	simm.s32 $0x2;
	s5 =	sand.u32 $0x1, s2;
	s31 =	sshll.u32 s0, $0x1  }
0x7: {  	vm0 =	vmmov $0x1;
	vm1 =	vmmov $0x3;
	vm2 =	vmmov $0x7;
	s18 =	simm.s32 $0xEF00;
	s19 =	simm.s32 $0x0;
	s7 =	sor.u32 s5, s31  }
0x8: {  	vm3 =	vmmov $0xf;
	vm4 =	vmmov $0x1f;
	vm5 =	vmmov $0x3f;
	[smem:$0x7FF] =	sst s4;
	s8 =	ssub.s32 $0x2, s5;
	s7 =	smul.u32 $0x4E2, s7  }
0x9: {  	vm6 =	vmmov $0x7f;
	vm7 =	vmmov $0xff;
	vm8 =	vmmov $0x1ff;
	s2 =	rddreg [dreg:$0x3];
	_ =	strace $0x80000047;
	s9 =	sshrl.u32 s8, $0x1  }
0xa: {  	vm9 =	vmmov $0x3ff;
	vm10 =	vmmov $0x7ff;
	vm11 =	vmmov $0xfff;
	s8 =	ssub.s32 s8, s9;
	s9 =	simm.s32 $0x3;
	s5 =	sadd.s32 s6, s7  }
0xb: {  	vm12 =	vmmov $0x1fff;
	vm13 =	vmmov $0x3fff;
	vm14 =	vmmov $0x7fff;
	s8 =	smax.u32 s8, $0x1;
	s6 =	sadd.s32 $0x9E00, s5;
	s7 =	sadd.s32 $0x13C00, s5  }
.LBB2_1:
0xc: {  	[tilespmem:s4], [sflag:$0x3] =	stream.linear.gather [hbm4b:s6+s4], $0x2710, $0x38;
	[tilespmem:$0x11680] =	vst v63  }
0xd: {  	_ =	swait.ge [sflag:s9], $0x2710  }
0xe: {  	[sflag:s9] =	ssyncset.done $0x0  }
0xf: {  	[sflag:s9] =	ssyncadd.s32 $0xFFFFD8F0  }
0x10: {  	[tilespmem:s10], [sflag:$0x3] =	stream.linear.gather [hbm4b:s5+s4], $0x2710, $0x38;
	[tilespmem:$0x11680] =	vst v63  }
0x11: {  	_ =	swait.ge [sflag:s9], $0x2710  }
0x12: {  	[sflag:s9] =	ssyncset.done $0x0  }
0x13: {  	[sflag:s9] =	ssyncadd.s32 $0xFFFFD8F0  }
0x14: {  	[tilespmem:s12], [sflag:$0x1] =	stream.indirect.gather [hbm4b:s1+s11], $0x80, s4, s11, $0xb8;
	[tilespmem:$0x11680] =	vst v63  }
0x15: {  	s20 =	simm.s32 $0xEF50;
	s21 =	simm.s32 $0xEF00;
	s22 =	simm.s32 $0x0  }
0x16: {  	[tilespmem:s13], [sflag:$0x1] =	stream.indirect.gather [hbm4b:s3+s11], $0x80, s10, s11, $0xb8;
	[tilespmem:$0x11680] =	vst v63  }
.LBB2_2:
0x17: {  	s23 =	smul.u32 $0xA0, s22;
	_ =	sdelay $0x1  }
0x18: {  	s24 =	sadd.s32 $0x50, s23  }
0x19: {  	[tilespmem:s14], [sflag:$0x2] =	stream.indirect.gather [hbm4b:s1+s11], $0x80, s24, s11, $0xb8;
	[tilespmem:$0x11680] =	vst v63  }
0x1a: {  	s31 =	sadd.s32 $0x27D0, s23  }
0x1b: {  	[tilespmem:s15], [sflag:$0x2] =	stream.indirect.gather [hbm4b:s3+s11], $0x80, s31, s11, $0xb8;
	[tilespmem:$0x11680] =	vst v63  }
0x1c: {  	_ =	swait.ge [sflag:s16], $0x2800  }
0x1d: {  	[sflag:s16] =	ssyncset.done $0x0  }
0x1e: {  	[sflag:s16] =	ssyncadd.s32 $0xFFFFD800  }
0x1f: {  	_ =	swait.ge [sflag:s16], $0x2800  }
0x20: {  	[sflag:s16] =	ssyncset.done $0x0  }
0x21: {  	s25 =	smov.u32 s21;
	s24 =	simm.s32 $0x0;
	[sflag:s16] =	ssyncadd.s32 $0xFFFFD800  }
.LBB2_3:
0x22: {  	s26 =	sshra.s32 s24, $0x2  }
0x23: {  	v0 =	vld [tilespmem:s26+$0x4F00]  }
0x24: {  	v1 =	vld [tilespmem:s26+$0x7700]  }
0x25: {  	v2 =	vld [tilespmem:s26+$0x4F80]  }
0x26: {  	v3 =	vld [tilespmem:s26+$0x7780]  }
0x27: {  	v4 =	vld [tilespmem:s26+$0x5000]  }
0x28: {  	v5 =	vld [tilespmem:s26+$0x7800]  }
0x29: {  	v6 =	vld [tilespmem:s26+$0x5080]  }
0x2a: {  	v7 =	vld [tilespmem:s26+$0x7880]  }
0x2b: {  	v8 =	vld [tilespmem:s26+$0x5100]  }
0x2c: {  	v9 =	vld [tilespmem:s26+$0x7900]  }
0x2d: {  	v10 =	vld [tilespmem:s26+$0x5180]  }
0x2e: {  	v11 =	vld [tilespmem:s26+$0x7980]  }
0x2f: {  	v12 =	vld [tilespmem:s26+$0x5200]  }
0x30: {  	v13 =	vld [tilespmem:s26+$0x7A00]  }
0x31: {  	v14 =	vld [tilespmem:s26+$0x5280]  }
0x32: {  	v15 =	vld [tilespmem:s26+$0x7A80]  }
0x33: {  	v16 =	vld [tilespmem:s26+$0x5300]  }
0x34: {  	v17 =	vld [tilespmem:s26+$0x7B00]  }
0x35: {  	v18 =	vld [tilespmem:s26+$0x5380]  }
0x36: {  	v19 =	vld [tilespmem:s26+$0x7B80]  }
0x37: {  	v54 =	vld [tilespmem:s26+$0x5400]  }
0x38: {  	v55 =	vld [tilespmem:s26+$0x7C00];
	v0 =	vmul.f32 v1, v0  }
0x39: {  	v57 =	vld [tilespmem:s26+$0x5480];
	v2 =	vmul.f32 v3, v2  }
0x3a: {  	v59 =	vld [tilespmem:s26+$0x7C80];
	v56 =	vmul.f32 v5, v4;
	(xrf2) =	vadd.scan.msk.f32 $0xffff, v0  }
0x3b: {  	v61 =	vld [tilespmem:s26+$0x5500];
	v58 =	vmul.f32 v7, v6;
	(xrf2) =	vadd.scan.msk.f32 $0xffff, v2  }
0x3c: {  	v63 =	vld [tilespmem:s26+$0x7D00];
	v60 =	vmul.f32 v9, v8;
	(xrf2) =	vadd.scan.msk.f32 $0xffff, v56  }
0x3d: {  	v20 =	vld [tilespmem:s26+$0x5580];
	v62 =	vmul.f32 v11, v10;
	(xrf2) =	vadd.scan.msk.f32 $0xffff, v58  }
0x3e: {  	v22 =	vld [tilespmem:s26+$0x7D80];
	v13 =	vmul.f32 v13, v12;
	(xrf2) =	vadd.scan.msk.f32 $0xffff, v60  }
0x3f: {  	v24 =	vld [tilespmem:s26+$0x5600];
	v21 =	vmul.f32 v15, v14;
	(xrf2) =	vadd.scan.msk.f32 $0xffff, v62  }
0x40: {  	v26 =	vld [tilespmem:s26+$0x7E00];
	v23 =	vmul.f32 v17, v16;
	(xrf2) =	vadd.scan.msk.f32 $0xffff, v13  }
0x41: {  	v25 =	vmul.f32 v19, v18;
	(xrf2) =	vadd.scan.msk.f32 $0xffff, v21  }
0x42: {  	v27 =	vmul.f32 v55, v54;
	(xrf2) =	vadd.scan.msk.f32 $0xffff, v23  }
0x43: {  	v29 =	vld [tilespmem:s26+$0x5680];
	v28 =	vmul.f32 v59, v57;
	(xrf2) =	vadd.scan.msk.f32 $0xffff, v25  }
0x44: {  	v32 =	vld [tilespmem:s26+$0x7E80];
	v31 =	vmul.f32 v63, v61;
	v30, _, _ =	vpop (xrf2);
	(xrf2) =	vadd.scan.msk.f32 $0xffff, v27  }
0x45: {  	v35 =	vmul.f32 v22, v20;
	v38 =	vmul.f32 v26, v24;
	v33, _, _ =	vpop (xrf2);
	(xrf2) =	vadd.scan.msk.f32 $0xffff, v28  }
0x46: {  	v34 =	vbroadcast v30, $0xF;
	v36, _, _ =	vpop (xrf2);
	(xrf2) =	vadd.scan.msk.f32 $0xffff, v31;
	v37 =	vbroadcast v33, $0xF  }
0x47: {  	v39, _, _ =	vpop (xrf2);
	(xrf2) =	vadd.scan.msk.f32 $0xffff, v35;
	v40 =	vbroadcast v36, $0xF  }
0x48: {  	v0 =	vsel vm0, v34, v37;
	v41 =	vbroadcast v39, $0xF;
	v42, _, _ =	vpop (xrf2);
	(xrf2) =	vadd.scan.msk.f32 $0xffff, v38  }
0x49: {  	v2 =	vmul.f32 v32, v29;
	v43, _, _ =	vpop (xrf2);
	v0 =	vsel vm1, v0, v40;
	v44 =	vbroadcast v42, $0xF  }
0x4a: {  	v45, _, _ =	vpop (xrf2);
	v0 =	vsel vm2, v0, v41;
	v46 =	vbroadcast v43, $0xF  }
0x4b: {  	(xrf2) =	vadd.scan.msk.f32 $0xffff, v2;
	v0 =	vsel vm3, v0, v44;
	v47 =	vbroadcast v45, $0xF;
	v48, _, _ =	vpop (xrf2)  }
0x4c: {  	v49, _, _ =	vpop (xrf2);
	v0 =	vsel vm4, v0, v46;
	v50 =	vbroadcast v48, $0xF  }
0x4d: {  	v51, _, _ =	vpop (xrf2);
	v0 =	vsel vm5, v0, v47;
	v2 =	vbroadcast v49, $0xF  }
0x4e: {  	v52, _, _ =	vpop (xrf2);
	v0 =	vsel vm6, v0, v50;
	v53 =	vbroadcast v51, $0xF  }
0x4f: {  	v54, _, _ =	vpop (xrf2);
	v0 =	vsel vm7, v0, v2;
	v55 =	vbroadcast v52, $0xF  }
0x50: {  	v56, _, _ =	vpop (xrf2);
	v0 =	vsel vm8, v0, v53;
	v57 =	vbroadcast v54, $0xF  }
0x51: {  	v58, _, _ =	vpop (xrf2);
	v0 =	vsel vm9, v0, v55;
	v59 =	vbroadcast v56, $0xF  }
0x52: {  	v60, _, _ =	vpop (xrf2);
	v0 =	vsel vm10, v0, v57;
	v61 =	vbroadcast v58, $0xF  }
0x53: {  	v0 =	vsel vm11, v0, v59;
	v62 =	vbroadcast v60, $0xF  }
0x54: {  	v0 =	vsel vm12, v0, v61  }
0x55: {  	v63, _, _ =	vpop (xrf2);
	v0 =	vsel vm13, v0, v62  }
0x56: {  	v0 =	vsel vm14, v0, v63  }
0x57: {  	v0 =	vsub.f32 $0.0e+00, v0;
	_ =	sdelay $0x1  }
0x58: {  	v0 =	vmul.f32 $1.442695020e+00, v0;
	_ =	sdelay $0x1  }
0x59: {  	(erf) = vpow2.f32 v0;
	_ =	sdelay $0x8  }
0x5a: {  	v0 =	vpop (erf)  }
0x5b: {  	v0 =	vadd.f32 $1.000000000e+00, v0;
	_ =	sdelay $0x1  }
0x5c: {  	(erf) = vrcp.f32 v0;
	_ =	sdelay $0x4  }
0x5d: {  	p0 =	sne.s32 s24, $0x8000  }
.Ltmp0:
0x5e: {  	_ = 	snop;
	(pc) =	sbr.rel @p0 .LBB2_3-.Ltmp0, $3  }
0x5f: {  	_ =	sdelay $0x1  }
0x60: {  	v0 =	vpop (erf)  }
0x61: {  	s24 =	sadd.s32 $0x2000, s24;
	[tilespmem:s25+$0x0] =	vst v0;
	s25 =	sadd.s32 $0x10, s25  }
0x62: {  	s24 =	sadd.s32 $0xA0, s23  }
0x63: {  	[tilespmem:s12], [sflag:$0x1] =	stream.indirect.gather [hbm4b:s1+s11], $0x80, s24, s11, $0xb8;
	[tilespmem:$0x11680] =	vst v63  }
0x64: {  	s31 =	sadd.s32 $0x2820, s23  }
0x65: {  	[tilespmem:s13], [sflag:$0x1] =	stream.indirect.gather [hbm4b:s3+s11], $0x80, s31, s11, $0xb8;
	[tilespmem:$0x11680] =	vst v63  }
0x66: {  	_ =	swait.ge [sflag:s17], $0x2800  }
0x67: {  	[sflag:s17] =	ssyncset.done $0x0  }
0x68: {  	[sflag:s17] =	ssyncadd.s32 $0xFFFFD800  }
0x69: {  	_ =	swait.ge [sflag:s17], $0x2800  }
0x6a: {  	[sflag:s17] =	ssyncset.done $0x0  }
0x6b: {  	s23 =	simm.s32 $0x0;
	s24 =	smov.u32 s20;
	[sflag:s17] =	ssyncadd.s32 $0xFFFFD800  }
.LBB2_5:
0x6c: {  	s25 =	sshra.s32 s23, $0x2  }
0x6d: {  	v0 =	vld [tilespmem:s25+$0x9F00]  }
0x6e: {  	v1 =	vld [tilespmem:s25+$0xC700]  }
0x6f: {  	v2 =	vld [tilespmem:s25+$0x9F80]  }
0x70: {  	v3 =	vld [tilespmem:s25+$0xC780]  }
0x71: {  	v4 =	vld [tilespmem:s25+$0xA000]  }
0x72: {  	v5 =	vld [tilespmem:s25+$0xC800]  }
0x73: {  	v6 =	vld [tilespmem:s25+$0xA080]  }
0x74: {  	v7 =	vld [tilespmem:s25+$0xC880]  }
0x75: {  	v8 =	vld [tilespmem:s25+$0xA100]  }
0x76: {  	v9 =	vld [tilespmem:s25+$0xC900]  }
0x77: {  	v10 =	vld [tilespmem:s25+$0xA180]  }
0x78: {  	v11 =	vld [tilespmem:s25+$0xC980]  }
0x79: {  	v12 =	vld [tilespmem:s25+$0xA200]  }
0x7a: {  	v13 =	vld [tilespmem:s25+$0xCA00]  }
0x7b: {  	v14 =	vld [tilespmem:s25+$0xA280]  }
0x7c: {  	v15 =	vld [tilespmem:s25+$0xCA80]  }
0x7d: {  	v16 =	vld [tilespmem:s25+$0xA300]  }
0x7e: {  	v17 =	vld [tilespmem:s25+$0xCB00]  }
0x7f: {  	v18 =	vld [tilespmem:s25+$0xA380]  }
0x80: {  	v19 =	vld [tilespmem:s25+$0xCB80]  }
0x81: {  	v54 =	vld [tilespmem:s25+$0xA400]  }
0x82: {  	v55 =	vld [tilespmem:s25+$0xCC00];
	v0 =	vmul.f32 v1, v0  }
0x83: {  	v57 =	vld [tilespmem:s25+$0xA480];
	v2 =	vmul.f32 v3, v2  }
0x84: {  	v59 =	vld [tilespmem:s25+$0xCC80];
	v56 =	vmul.f32 v5, v4;
	(xrf2) =	vadd.scan.msk.f32 $0xffff, v0  }
0x85: {  	v61 =	vld [tilespmem:s25+$0xA500];
	v58 =	vmul.f32 v7, v6;
	(xrf2) =	vadd.scan.msk.f32 $0xffff, v2  }
0x86: {  	v63 =	vld [tilespmem:s25+$0xCD00];
	v60 =	vmul.f32 v9, v8;
	(xrf2) =	vadd.scan.msk.f32 $0xffff, v56  }
0x87: {  	v20 =	vld [tilespmem:s25+$0xA580];
	v62 =	vmul.f32 v11, v10;
	(xrf2) =	vadd.scan.msk.f32 $0xffff, v58  }
0x88: {  	v22 =	vld [tilespmem:s25+$0xCD80];
	v13 =	vmul.f32 v13, v12;
	(xrf2) =	vadd.scan.msk.f32 $0xffff, v60  }
0x89: {  	v24 =	vld [tilespmem:s25+$0xA600];
	v21 =	vmul.f32 v15, v14;
	(xrf2) =	vadd.scan.msk.f32 $0xffff, v62  }
0x8a: {  	v26 =	vld [tilespmem:s25+$0xCE00];
	v23 =	vmul.f32 v17, v16;
	(xrf2) =	vadd.scan.msk.f32 $0xffff, v13  }
0x8b: {  	v25 =	vmul.f32 v19, v18;
	(xrf2) =	vadd.scan.msk.f32 $0xffff, v21  }
0x8c: {  	v27 =	vmul.f32 v55, v54;
	(xrf2) =	vadd.scan.msk.f32 $0xffff, v23  }
0x8d: {  	v29 =	vld [tilespmem:s25+$0xA680];
	v28 =	vmul.f32 v59, v57;
	(xrf2) =	vadd.scan.msk.f32 $0xffff, v25  }
0x8e: {  	v32 =	vld [tilespmem:s25+$0xCE80];
	v31 =	vmul.f32 v63, v61;
	v30, _, _ =	vpop (xrf2);
	(xrf2) =	vadd.scan.msk.f32 $0xffff, v27  }
0x8f: {  	v35 =	vmul.f32 v22, v20;
	v38 =	vmul.f32 v26, v24;
	v33, _, _ =	vpop (xrf2);
	(xrf2) =	vadd.scan.msk.f32 $0xffff, v28  }
0x90: {  	v34 =	vbroadcast v30, $0xF;
	v36, _, _ =	vpop (xrf2);
	(xrf2) =	vadd.scan.msk.f32 $0xffff, v31;
	v37 =	vbroadcast v33, $0xF  }
0x91: {  	v39, _, _ =	vpop (xrf2);
	(xrf2) =	vadd.scan.msk.f32 $0xffff, v35;
	v40 =	vbroadcast v36, $0xF  }
0x92: {  	v0 =	vsel vm0, v34, v37;
	v41 =	vbroadcast v39, $0xF;
	v42, _, _ =	vpop (xrf2);
	(xrf2) =	vadd.scan.msk.f32 $0xffff, v38  }
0x93: {  	v2 =	vmul.f32 v32, v29;
	v43, _, _ =	vpop (xrf2);
	v0 =	vsel vm1, v0, v40;
	v44 =	vbroadcast v42, $0xF  }
0x94: {  	v45, _, _ =	vpop (xrf2);
	v0 =	vsel vm2, v0, v41;
	v46 =	vbroadcast v43, $0xF  }
0x95: {  	(xrf2) =	vadd.scan.msk.f32 $0xffff, v2;
	v0 =	vsel vm3, v0, v44;
	v47 =	vbroadcast v45, $0xF;
	v48, _, _ =	vpop (xrf2)  }
0x96: {  	v49, _, _ =	vpop (xrf2);
	v0 =	vsel vm4, v0, v46;
	v50 =	vbroadcast v48, $0xF  }
0x97: {  	v51, _, _ =	vpop (xrf2);
	v0 =	vsel vm5, v0, v47;
	v2 =	vbroadcast v49, $0xF  }
0x98: {  	v52, _, _ =	vpop (xrf2);
	v0 =	vsel vm6, v0, v50;
	v53 =	vbroadcast v51, $0xF  }
0x99: {  	v54, _, _ =	vpop (xrf2);
	v0 =	vsel vm7, v0, v2;
	v55 =	vbroadcast v52, $0xF  }
0x9a: {  	v56, _, _ =	vpop (xrf2);
	v0 =	vsel vm8, v0, v53;
	v57 =	vbroadcast v54, $0xF  }
0x9b: {  	v58, _, _ =	vpop (xrf2);
	v0 =	vsel vm9, v0, v55;
	v59 =	vbroadcast v56, $0xF  }
0x9c: {  	v60, _, _ =	vpop (xrf2);
	v0 =	vsel vm10, v0, v57;
	v61 =	vbroadcast v58, $0xF  }
0x9d: {  	v0 =	vsel vm11, v0, v59;
	v62 =	vbroadcast v60, $0xF  }
0x9e: {  	v0 =	vsel vm12, v0, v61  }
0x9f: {  	v63, _, _ =	vpop (xrf2);
	v0 =	vsel vm13, v0, v62  }
0xa0: {  	v0 =	vsel vm14, v0, v63  }
0xa1: {  	v0 =	vsub.f32 $0.0e+00, v0;
	_ =	sdelay $0x1  }
0xa2: {  	v0 =	vmul.f32 $1.442695020e+00, v0;
	_ =	sdelay $0x1  }
0xa3: {  	(erf) = vpow2.f32 v0;
	_ =	sdelay $0x8  }
0xa4: {  	v0 =	vpop (erf)  }
0xa5: {  	v0 =	vadd.f32 $1.000000000e+00, v0;
	_ =	sdelay $0x1  }
0xa6: {  	(erf) = vrcp.f32 v0;
	_ =	sdelay $0x4  }
0xa7: {  	p0 =	sne.s32 s23, $0x8000  }
.Ltmp1:
0xa8: {  	_ = 	snop;
	(pc) =	sbr.rel @p0 .LBB2_5-.Ltmp1, $3  }
0xa9: {  	_ =	sdelay $0x1  }
0xaa: {  	v0 =	vpop (erf)  }
0xab: {  	s23 =	sadd.s32 $0x2000, s23;
	[tilespmem:s24+$0x0] =	vst v0;
	s24 =	sadd.s32 $0x10, s24  }
0xac: {  	s22 =	sadd.s32 $0x1, s22  }
0xad: {  	p0 =	sne.s32 s22, $0x3E  }
.Ltmp2:
0xae: {  	_ = 	snop;
	(pc) =	sbr.rel @p0 .LBB2_2-.Ltmp2, $2  }
0xaf: {  	_ =	sdelay $0x2  }
0xb0: {  	s21 =	sadd.s32 $0xA0, s21;
	s20 =	sadd.s32 $0xA0, s20  }
0xb1: {  	_ =	swait.ge [sflag:s16], $0x2800  }
0xb2: {  	[sflag:s16] =	ssyncset.done $0x0  }
0xb3: {  	[sflag:s16] =	ssyncadd.s32 $0xFFFFD800  }
0xb4: {  	_ =	swait.ge [sflag:s16], $0x2800  }
0xb5: {  	[sflag:s16] =	ssyncset.done $0x0  }
0xb6: {  	s20 =	simm.s32 $0x0;
	s21 =	simm.s32 $0x115C0;
	[sflag:s16] =	ssyncadd.s32 $0xFFFFD800  }
.LBB2_8:
0xb7: {  	s22 =	sshra.s32 s20, $0x2  }
0xb8: {  	v0 =	vld [tilespmem:s22+$0x4F00]  }
0xb9: {  	v1 =	vld [tilespmem:s22+$0x7700]  }
0xba: {  	v2 =	vld [tilespmem:s22+$0x4F80]  }
0xbb: {  	v3 =	vld [tilespmem:s22+$0x7780]  }
0xbc: {  	v4 =	vld [tilespmem:s22+$0x5000]  }
0xbd: {  	v5 =	vld [tilespmem:s22+$0x7800]  }
0xbe: {  	v6 =	vld [tilespmem:s22+$0x5080]  }
0xbf: {  	v7 =	vld [tilespmem:s22+$0x7880]  }
0xc0: {  	v8 =	vld [tilespmem:s22+$0x5100]  }
0xc1: {  	v9 =	vld [tilespmem:s22+$0x7900]  }
0xc2: {  	v10 =	vld [tilespmem:s22+$0x5180]  }
0xc3: {  	v11 =	vld [tilespmem:s22+$0x7980]  }
0xc4: {  	v12 =	vld [tilespmem:s22+$0x5200]  }
0xc5: {  	v13 =	vld [tilespmem:s22+$0x7A00]  }
0xc6: {  	v14 =	vld [tilespmem:s22+$0x5280]  }
0xc7: {  	v15 =	vld [tilespmem:s22+$0x7A80]  }
0xc8: {  	v16 =	vld [tilespmem:s22+$0x5300]  }
0xc9: {  	v17 =	vld [tilespmem:s22+$0x7B00]  }
0xca: {  	v18 =	vld [tilespmem:s22+$0x5380]  }
0xcb: {  	v19 =	vld [tilespmem:s22+$0x7B80]  }
0xcc: {  	v54 =	vld [tilespmem:s22+$0x5400]  }
0xcd: {  	v55 =	vld [tilespmem:s22+$0x7C00];
	v0 =	vmul.f32 v1, v0  }
0xce: {  	v57 =	vld [tilespmem:s22+$0x5480];
	v2 =	vmul.f32 v3, v2  }
0xcf: {  	v59 =	vld [tilespmem:s22+$0x7C80];
	v56 =	vmul.f32 v5, v4;
	(xrf2) =	vadd.scan.msk.f32 $0xffff, v0  }
0xd0: {  	v61 =	vld [tilespmem:s22+$0x5500];
	v58 =	vmul.f32 v7, v6;
	(xrf2) =	vadd.scan.msk.f32 $0xffff, v2  }
0xd1: {  	v63 =	vld [tilespmem:s22+$0x7D00];
	v60 =	vmul.f32 v9, v8;
	(xrf2) =	vadd.scan.msk.f32 $0xffff, v56  }
0xd2: {  	v20 =	vld [tilespmem:s22+$0x5580];
	v62 =	vmul.f32 v11, v10;
	(xrf2) =	vadd.scan.msk.f32 $0xffff, v58  }
0xd3: {  	v22 =	vld [tilespmem:s22+$0x7D80];
	v13 =	vmul.f32 v13, v12;
	(xrf2) =	vadd.scan.msk.f32 $0xffff, v60  }
0xd4: {  	v24 =	vld [tilespmem:s22+$0x5600];
	v21 =	vmul.f32 v15, v14;
	(xrf2) =	vadd.scan.msk.f32 $0xffff, v62  }
0xd5: {  	v26 =	vld [tilespmem:s22+$0x7E00];
	v23 =	vmul.f32 v17, v16;
	(xrf2) =	vadd.scan.msk.f32 $0xffff, v13  }
0xd6: {  	v25 =	vmul.f32 v19, v18;
	(xrf2) =	vadd.scan.msk.f32 $0xffff, v21  }
0xd7: {  	v27 =	vmul.f32 v55, v54;
	(xrf2) =	vadd.scan.msk.f32 $0xffff, v23  }
0xd8: {  	v29 =	vld [tilespmem:s22+$0x5680];
	v28 =	vmul.f32 v59, v57;
	(xrf2) =	vadd.scan.msk.f32 $0xffff, v25  }
0xd9: {  	v32 =	vld [tilespmem:s22+$0x7E80];
	v31 =	vmul.f32 v63, v61;
	v30, _, _ =	vpop (xrf2);
	(xrf2) =	vadd.scan.msk.f32 $0xffff, v27  }
0xda: {  	v35 =	vmul.f32 v22, v20;
	v38 =	vmul.f32 v26, v24;
	v33, _, _ =	vpop (xrf2);
	(xrf2) =	vadd.scan.msk.f32 $0xffff, v28  }
0xdb: {  	v34 =	vbroadcast v30, $0xF;
	v36, _, _ =	vpop (xrf2);
	(xrf2) =	vadd.scan.msk.f32 $0xffff, v31;
	v37 =	vbroadcast v33, $0xF  }
0xdc: {  	v39, _, _ =	vpop (xrf2);
	(xrf2) =	vadd.scan.msk.f32 $0xffff, v35;
	v40 =	vbroadcast v36, $0xF  }
0xdd: {  	v0 =	vsel vm0, v34, v37;
	v41 =	vbroadcast v39, $0xF;
	v42, _, _ =	vpop (xrf2);
	(xrf2) =	vadd.scan.msk.f32 $0xffff, v38  }
0xde: {  	v2 =	vmul.f32 v32, v29;
	v43, _, _ =	vpop (xrf2);
	v0 =	vsel vm1, v0, v40;
	v44 =	vbroadcast v42, $0xF  }
0xdf: {  	v45, _, _ =	vpop (xrf2);
	v0 =	vsel vm2, v0, v41;
	v46 =	vbroadcast v43, $0xF  }
0xe0: {  	(xrf2) =	vadd.scan.msk.f32 $0xffff, v2;
	v0 =	vsel vm3, v0, v44;
	v47 =	vbroadcast v45, $0xF;
	v48, _, _ =	vpop (xrf2)  }
0xe1: {  	v49, _, _ =	vpop (xrf2);
	v0 =	vsel vm4, v0, v46;
	v50 =	vbroadcast v48, $0xF  }
0xe2: {  	v51, _, _ =	vpop (xrf2);
	v0 =	vsel vm5, v0, v47;
	v2 =	vbroadcast v49, $0xF  }
0xe3: {  	v52, _, _ =	vpop (xrf2);
	v0 =	vsel vm6, v0, v50;
	v53 =	vbroadcast v51, $0xF  }
0xe4: {  	v54, _, _ =	vpop (xrf2);
	v0 =	vsel vm7, v0, v2;
	v55 =	vbroadcast v52, $0xF  }
0xe5: {  	v56, _, _ =	vpop (xrf2);
	v0 =	vsel vm8, v0, v53;
	v57 =	vbroadcast v54, $0xF  }
0xe6: {  	v58, _, _ =	vpop (xrf2);
	v0 =	vsel vm9, v0, v55;
	v59 =	vbroadcast v56, $0xF  }
0xe7: {  	v60, _, _ =	vpop (xrf2);
	v0 =	vsel vm10, v0, v57;
	v61 =	vbroadcast v58, $0xF  }
0xe8: {  	v0 =	vsel vm11, v0, v59;
	v62 =	vbroadcast v60, $0xF  }
0xe9: {  	v0 =	vsel vm12, v0, v61  }
0xea: {  	v63, _, _ =	vpop (xrf2);
	v0 =	vsel vm13, v0, v62  }
0xeb: {  	v0 =	vsel vm14, v0, v63  }
0xec: {  	v0 =	vsub.f32 $0.0e+00, v0;
	_ =	sdelay $0x1  }
0xed: {  	v0 =	vmul.f32 $1.442695020e+00, v0;
	_ =	sdelay $0x1  }
0xee: {  	(erf) = vpow2.f32 v0;
	_ =	sdelay $0x8  }
0xef: {  	v0 =	vpop (erf)  }
0xf0: {  	v0 =	vadd.f32 $1.000000000e+00, v0;
	_ =	sdelay $0x1  }
0xf1: {  	(erf) = vrcp.f32 v0;
	_ =	sdelay $0x4  }
0xf2: {  	p0 =	sne.s32 s20, $0x8000  }
.Ltmp3:
0xf3: {  	_ = 	snop;
	(pc) =	sbr.rel @p0 .LBB2_8-.Ltmp3, $3  }
0xf4: {  	_ =	sdelay $0x1  }
0xf5: {  	v0 =	vpop (erf)  }
0xf6: {  	s20 =	sadd.s32 $0x2000, s20;
	[tilespmem:s21+$0x0] =	vst v0;
	s21 =	sadd.s32 $0x10, s21  }
0xf7: {  	s19 =	sadd.s32 $0x1, s19  }
0xf8: {  	p0 =	sne.s32 s19, s8  }
.Ltmp4:
0xf9: {  	_ = 	snop;
	(pc) =	sbr.rel @p0 .LBB2_1-.Ltmp4, $4  }
0xfa: {  	[hbm4b:s7+s4] =	stream.linear.scatter [tilespmem:s18], [sflag:$0x3], $0x2710, $0x38;
	[tilespmem:$0x11680] =	vst v63  }
0xfb: {  	_ =	swait.ge [sflag:s9], $0x2710  }
0xfc: {  	[sflag:s9] =	ssyncset.done $0x0  }
0xfd: {  	[sflag:s9] =	ssyncadd.s32 $0xFFFFD8F0  }
0xfe: {  	_ =	sfence.sel $0x180000  }
0xff: {  	[bflag:$0x0] =	sbarrier.arrive $0xFFFF  }
0x100: {  	p0 =	sne.s32 s0, $0x0;
	_ =	strace $0x90000047  }
0x101: {  	s0 =	sadd.s32 @!p0 $0x100000, s2;
	[bflag:$0x2] =	sbarrier.arrive $0xFFFF  }
0x102: {  	[sflag:s0] =	ssyncadd.tile.s32 @!p0 $0x1;
	_ =	shalt  }
.Lfunc_end2:
_tile_overlayer_lowered:
.L_overlay_start_2:
0x103: {  	(tag) =	ssettag $0x2  }
0x104: {  	s0 =	rddreg [dreg:$0x0];
	s2 =	stileid.u32  }
0x105: {  	s1 =	rddreg [dreg:$0x1];
	p0 =	sne.s32 s2, $0x0  }
0x106: {  	s3 =	rddreg [dreg:$0x2];
	[bflag:$0x3] =	sbarrier.arrive $0xFFFF;
	s2 =	simm.s32 @!p0 $0x1C03  }
0x107: {  	[timem:s3], [sflag:s2] =	dma.local @!p0 [hbm:s0], s1  }
0x108: {  	s0 =	simm.s32 @!p0 $0x3  }
0x109: {  	_ =	swait.ge @!p0 [sflag:s0], s1  }
0x10a: {  	s1 =	ssub.s32 @!p0 $0x0, s1;
	[sflag:s0] =	ssyncset.done @!p0 $0x0  }
0x10b: {  	[sflag:s0] =	ssyncadd.s32 @!p0 s1  }
0x10c: {  	[bflag:$0x3] =	sbarrier.arrive $0xFFFF  }
0x10d: {  	_ =	shalt  }

</sc_bundles>
